<compile_context>
chip_gen: v7x
topology: tpu7x:2x2x1
jax: 0.10.2.dev20260603
libtpu: 0.0.44.dev20260713+nightly
codegen_flags: <defaults>
</compile_context>

<pallas_src>
import functools

import jax
import jax.numpy as jnp
from jax import lax
from jax.experimental import pallas as pl
from jax.experimental.pallas import tpu as pltpu
from jax.experimental.pallas import tpu_sc as plsc

VOCAB = 1000000
EMBED = 64
B, T = 4096, 200

_info = plsc.get_sparse_core_info()
NC, NS, L = _info.num_cores, _info.num_subcores, _info.num_lanes
NW = NC * NS
ROWS_PER_W = B // NW
RPC = 2
NCHUNK = ROWS_PER_W // RPC
CR = RPC * T
IDX_SPLIT = 4
IDX_MINOR = CR // IDX_SPLIT
NB = 3


def _sc_body(x_hbm, table_hbm, pos_hbm, out_hbm, idx_all, pos_v, bufs, gsem, wsem):
    wid = lax.axis_index("s") * NC + lax.axis_index("c")

    pltpu.sync_copy(x_hbm.at[wid], idx_all)
    pltpu.sync_copy(pos_hbm, pos_v)

    def fire_gather(c, slot):
        for j in range(IDX_SPLIT):
            pltpu.async_copy(
                table_hbm.at[idx_all.at[c, j]],
                bufs.at[slot, pl.ds(j * IDX_MINOR, IDX_MINOR)],
                gsem.at[slot],
            )

    for b in range(NB - 1):
        fire_gather(b, b)

    def loop_body(g, _):
        slot = lax.rem(g, NB)
        pltpu.make_async_copy(
            out_hbm.at[wid, g], bufs.at[slot], gsem.at[slot]
        ).wait()

        @plsc.parallel_loop(0, T, unroll=8)
        def _add(t):
            for h in range(RPC):
                for c in range(EMBED // L):
                    sl = pl.ds(c * L, L)
                    r = h * T + t
                    bufs[slot, r, sl] = bufs[slot, r, sl] + pos_v[t, sl]

        pltpu.async_copy(bufs.at[slot], out_hbm.at[wid, g], wsem.at[slot])

        nxt = g + NB - 1

        @pl.when(nxt < NCHUNK)
        def _():
            slotn = lax.rem(nxt, NB)

            @pl.when(nxt >= NB)
            def _():
                pltpu.make_async_copy(
                    bufs.at[slotn], out_hbm.at[wid, nxt - NB], wsem.at[slotn]
                ).wait()

            fire_gather(nxt, slotn)

        return 0

    lax.fori_loop(0, NCHUNK, loop_body, 0)

    for k in range(NB):
        c = NCHUNK - NB + k
        pltpu.make_async_copy(
            bufs.at[c % NB], out_hbm.at[wid, c], wsem.at[c % NB]
        ).wait()


@jax.jit
def kernel(x, token_table, pos_emb):
    x_r = x.astype(jnp.int32).reshape(NW, NCHUNK, IDX_SPLIT, IDX_MINOR)
    pos_s = pos_emb[0, :T, :]

    mesh = plsc.VectorSubcoreMesh(core_axis_name="c", subcore_axis_name="s")
    sc_call = functools.partial(
        pl.kernel,
        mesh=mesh,
        out_type=jax.ShapeDtypeStruct((NW, NCHUNK, CR, EMBED), jnp.float32),
        scratch_types=[
            pltpu.VMEM((NCHUNK, IDX_SPLIT, IDX_MINOR), jnp.int32),
            pltpu.VMEM((T, EMBED), jnp.float32),
            pltpu.VMEM((NB, CR, EMBED), jnp.float32),
            pltpu.SemaphoreType.DMA((NB,)),
            pltpu.SemaphoreType.DMA((NB,)),
        ],
        compiler_params=pltpu.CompilerParams(use_tc_tiling_on_sc=False),
    )(_sc_body)

    out = sc_call(x_r, token_table, pos_s)
    return out.reshape(B, T, EMBED)

# --- scband reference (transcript-rebuilt; emitter-appended) ---
"""Pipeline reference for scband-token-and-positional-embedding-60249801228456 (READ-ONLY COPY).

The authoritative reference and input builder live on the scoring server;
editing this copy changes nothing except your own understanding.
"""

import jax, jax.numpy as jnp
import numpy as np

VOCAB = 1000000
EMBED = 64
MAX_SEQ = 2048
B, T = 4096, 200

def setup_inputs(seed: int = 0) -> dict:
    key = jax.random.key(seed)
    k1, k2, k3 = jax.random.split(key, 3)
    x = jax.random.randint(k1, (B, T), 0, VOCAB, dtype=jnp.int64)
    token_table = jax.random.normal(k2, (VOCAB, EMBED), dtype=jnp.float32) * 0.02
    pos_emb = jax.random.normal(k3, (1, MAX_SEQ, EMBED), dtype=jnp.float32) * 0.02
    return {"x": x, "token_table": token_table, "pos_emb": pos_emb}

def reference(x, token_table, pos_emb):
    # token embedding lookup (gather)
    token_emb = jnp.take(token_table, x, axis=0)  # [B, T, E]
    # positional embedding slice to current sequence length
    T_cur = x.shape[1]
    pos = pos_emb[:, :T_cur, :]  # [1, T, E]
    out = token_emb + pos
    # dropout with p=0.0 is identity (eval-mode / deterministic)
    return out

if __name__ == "__main__":
    import jax
    _d = setup_inputs()
    print(jax.jit(kernel)(*tuple(_d.values())))

</pallas_src>

<mosaic_0001>
#map = affine_map<(d0, d1) -> (0, 0, 0, 0)>
#map1 = affine_map<(d0, d1) -> (0, 0)>
module attributes {stable_mosaic.version = 14 : i64} {
  func.func @_sc_body(%arg0: i32, %arg1: i32, %arg2: memref<32x64x4x100xi32, #tpu.memory_space<hbm>>, %arg3: memref<1000000x64xf32, #tpu.memory_space<hbm>>, %arg4: memref<200x64xf32, #tpu.memory_space<hbm>>, %arg5: memref<32x64x400x64xf32, #tpu.memory_space<hbm>>, %arg6: memref<64x4x100xi32, #tpu.memory_space<vmem>>, %arg7: memref<200x64xf32, #tpu.memory_space<vmem>>, %arg8: memref<3x400x64xf32, #tpu.memory_space<vmem>>, %arg9: memref<3x!tpu.dma_semaphore, #tpu.memory_space<semaphore_mem>>, %arg10: memref<3x!tpu.dma_semaphore, #tpu.memory_space<semaphore_mem>>) attributes {dimension_semantics = [#tpu.dimension_semantics<core_parallel>, #tpu.dimension_semantics<subcore_parallel>], iteration_bounds = array<i64: 2, 16>, scalar_prefetch = 0 : i64, scratch_operands = 5 : i64, tpu.core_type = #tpu.core_type<sc_vector_subcore>, window_params = [{transform_indices = #map}, {transform_indices = #map1}, {transform_indices = #map1}, {transform_indices = #map}]} {
    %mul3A = arith.constant 2 : i32
    %mul3A_0 = arith.muli %arg1, %mul3A : i32
    %add3A = arith.addi %mul3A_0, %arg0 : i32
    "tpu.region"() ({
      %run_scoped3A = tpu.sem_alloc : memref<!tpu.dma_semaphore, #tpu.memory_space<semaphore_mem>>
      %dma_start3A_196 = arith.constant 0 : i32
      %dma_start3A_197 = arith.constant 0 : i32
      %dma_start3A_198 = arith.constant 0 : i32
      %dma_start3A_199 = tpu.memref_slice %arg2[%add3A, %dma_start3A_196, %dma_start3A_197, %dma_start3A_198] : memref<32x64x4x100xi32, #tpu.memory_space<hbm>> -> memref<1x64x4x100xi32, #tpu.memory_space<hbm>>
      %dma_start3A_200 = tpu.memref_squeeze %dma_start3A_199 : memref<1x64x4x100xi32, #tpu.memory_space<hbm>> -> memref<64x4x100xi32, #tpu.memory_space<hbm>>
      %dma_start3A_201 = arith.constant 0 : i32
      %dma_start3A_202 = arith.constant 0 : i32
      %dma_start3A_203 = arith.constant 0 : i32
      %dma_start3A_204 = tpu.memref_slice %arg2[%add3A, %dma_start3A_201, %dma_start3A_202, %dma_start3A_203] : memref<32x64x4x100xi32, #tpu.memory_space<hbm>> -> memref<1x64x4x100xi32, #tpu.memory_space<hbm>>
      %dma_start3A_205 = tpu.memref_squeeze %dma_start3A_204 : memref<1x64x4x100xi32, #tpu.memory_space<hbm>> -> memref<64x4x100xi32, #tpu.memory_space<hbm>>
      tpu.enqueue_dma source(%dma_start3A_205 : memref<64x4x100xi32, #tpu.memory_space<hbm>>) target(%arg6 : memref<64x4x100xi32, #tpu.memory_space<vmem>>) target_semaphore(%run_scoped3A : memref<!tpu.dma_semaphore, #tpu.memory_space<semaphore_mem>>)
      %dma_wait3A_206 = arith.constant 0 : i32
      %dma_wait3A_207 = arith.constant 0 : i32
      %dma_wait3A_208 = arith.constant 0 : i32
      %dma_wait3A_209 = tpu.memref_slice %arg2[%add3A, %dma_wait3A_206, %dma_wait3A_207, %dma_wait3A_208] : memref<32x64x4x100xi32, #tpu.memory_space<hbm>> -> memref<1x64x4x100xi32, #tpu.memory_space<hbm>>
      %dma_wait3A_210 = tpu.memref_squeeze %dma_wait3A_209 : memref<1x64x4x100xi32, #tpu.memory_space<hbm>> -> memref<64x4x100xi32, #tpu.memory_space<hbm>>
      %dma_wait3A_211 = arith.constant 0 : i32
      %dma_wait3A_212 = arith.constant 0 : i32
      %dma_wait3A_213 = arith.constant 0 : i32
      %dma_wait3A_214 = tpu.memref_slice %arg2[%add3A, %dma_wait3A_211, %dma_wait3A_212, %dma_wait3A_213] : memref<32x64x4x100xi32, #tpu.memory_space<hbm>> -> memref<1x64x4x100xi32, #tpu.memory_space<hbm>>
      %dma_wait3A_215 = tpu.memref_squeeze %dma_wait3A_214 : memref<1x64x4x100xi32, #tpu.memory_space<hbm>> -> memref<64x4x100xi32, #tpu.memory_space<hbm>>
      tpu.wait_dma2 semaphore(%run_scoped3A : memref<!tpu.dma_semaphore, #tpu.memory_space<semaphore_mem>>) src(%dma_wait3A_215 : memref<64x4x100xi32, #tpu.memory_space<hbm>>) dst(%arg6 : memref<64x4x100xi32, #tpu.memory_space<vmem>>)
      tpu.yield
    }) : () -> ()
    "tpu.region"() ({
      %run_scoped3A = tpu.sem_alloc : memref<!tpu.dma_semaphore, #tpu.memory_space<semaphore_mem>>
      tpu.enqueue_dma source(%arg4 : memref<200x64xf32, #tpu.memory_space<hbm>>) target(%arg7 : memref<200x64xf32, #tpu.memory_space<vmem>>) target_semaphore(%run_scoped3A : memref<!tpu.dma_semaphore, #tpu.memory_space<semaphore_mem>>)
      tpu.wait_dma2 semaphore(%run_scoped3A : memref<!tpu.dma_semaphore, #tpu.memory_space<semaphore_mem>>) src(%arg4 : memref<200x64xf32, #tpu.memory_space<hbm>>) dst(%arg7 : memref<200x64xf32, #tpu.memory_space<vmem>>)
      tpu.yield
    }) : () -> ()
    %dma_start3A = arith.constant 0 : i32
    %dma_start3A_1 = arith.constant 0 : i32
    %dma_start3A_2 = arith.constant 0 : i32
    %dma_start3A_3 = arith.constant 0 : i32
    %dma_start3A_4 = arith.constant 0 : i32
    %dma_start3A_5 = arith.constant 0 : i32
    %dma_start3A_6 = tpu.memref_slice %arg8[%dma_start3A_2, %dma_start3A_4, %dma_start3A_5] : memref<3x400x64xf32, #tpu.memory_space<vmem>> -> memref<1x100x64xf32, #tpu.memory_space<vmem>>
    %dma_start3A_7 = tpu.memref_squeeze %dma_start3A_6 : memref<1x100x64xf32, #tpu.memory_space<vmem>> -> memref<100x64xf32, #tpu.memory_space<vmem>>
    %dma_start3A_8 = arith.constant 0 : i32
    %dma_start3A_9 = tpu.memref_slice %arg6[%dma_start3A, %dma_start3A_1, %dma_start3A_8] : memref<64x4x100xi32, #tpu.memory_space<vmem>> -> memref<1x1x100xi32, #tpu.memory_space<vmem>>
    %dma_start3A_10 = tpu.memref_squeeze %dma_start3A_9 : memref<1x1x100xi32, #tpu.memory_space<vmem>> -> memref<100xi32, #tpu.memory_space<vmem>>
    %dma_start3A_11 = arith.constant 0 : i32
    %dma_start3A_12 = arith.constant 0 : i32
    %dma_start3A_13 = tpu.memref_slice %arg3[%dma_start3A_11, %dma_start3A_12] : memref<1000000x64xf32, #tpu.memory_space<hbm>> -> memref<1000000x64xf32, #tpu.memory_space<hbm>>
    %dma_start3A_14 = tpu.memref_slice %arg9[%dma_start3A_3] : memref<3x!tpu.dma_semaphore, #tpu.memory_space<semaphore_mem>> -> memref<1x!tpu.dma_semaphore, #tpu.memory_space<semaphore_mem>>
    %dma_start3A_15 = tpu.memref_squeeze %dma_start3A_14 : memref<1x!tpu.dma_semaphore, #tpu.memory_space<semaphore_mem>> -> memref<!tpu.dma_semaphore, #tpu.memory_space<semaphore_mem>>
    tpu.enqueue_indirect_dma source(%dma_start3A_13 : memref<1000000x64xf32, #tpu.memory_space<hbm>>) target(%dma_start3A_7 : memref<100x64xf32, #tpu.memory_space<vmem>>) offsets(%dma_start3A_10 : memref<100xi32, #tpu.memory_space<vmem>>) semaphore(%dma_start3A_15 : memref<!tpu.dma_semaphore, #tpu.memory_space<semaphore_mem>>)
    %dma_start3A_16 = arith.constant 0 : i32
    %dma_start3A_17 = arith.constant 1 : i32
    %dma_start3A_18 = arith.constant 0 : i32
    %dma_start3A_19 = arith.constant 0 : i32
    %dma_start3A_20 = arith.constant 100 : i32
    %dma_start3A_21 = arith.constant 0 : i32
    %dma_start3A_22 = tpu.memref_slice %arg8[%dma_start3A_18, %dma_start3A_20, %dma_start3A_21] : memref<3x400x64xf32, #tpu.memory_space<vmem>> -> memref<1x100x64xf32, #tpu.memory_space<vmem>>
    %dma_start3A_23 = tpu.memref_squeeze %dma_start3A_22 : memref<1x100x64xf32, #tpu.memory_space<vmem>> -> memref<100x64xf32, #tpu.memory_space<vmem>>
    %dma_start3A_24 = arith.constant 0 : i32
    %dma_start3A_25 = tpu.memref_slice %arg6[%dma_start3A_16, %dma_start3A_17, %dma_start3A_24] : memref<64x4x100xi32, #tpu.memory_space<vmem>> -> memref<1x1x100xi32, #tpu.memory_space<vmem>>
    %dma_start3A_26 = tpu.memref_squeeze %dma_start3A_25 : memref<1x1x100xi32, #tpu.memory_space<vmem>> -> memref<100xi32, #tpu.memory_space<vmem>>
    %dma_start3A_27 = arith.constant 0 : i32
    %dma_start3A_28 = arith.constant 0 : i32
    %dma_start3A_29 = tpu.memref_slice %arg3[%dma_start3A_27, %dma_start3A_28] : memref<1000000x64xf32, #tpu.memory_space<hbm>> -> memref<1000000x64xf32, #tpu.memory_space<hbm>>
    %dma_start3A_30 = tpu.memref_slice %arg9[%dma_start3A_19] : memref<3x!tpu.dma_semaphore, #tpu.memory_space<semaphore_mem>> -> memref<1x!tpu.dma_semaphore, #tpu.memory_space<semaphore_mem>>
    %dma_start3A_31 = tpu.memref_squeeze %dma_start3A_30 : memref<1x!tpu.dma_semaphore, #tpu.memory_space<semaphore_mem>> -> memref<!tpu.dma_semaphore, #tpu.memory_space<semaphore_mem>>
    tpu.enqueue_indirect_dma source(%dma_start3A_29 : memref<1000000x64xf32, #tpu.memory_space<hbm>>) target(%dma_start3A_23 : memref<100x64xf32, #tpu.memory_space<vmem>>) offsets(%dma_start3A_26 : memref<100xi32, #tpu.memory_space<vmem>>) semaphore(%dma_start3A_31 : memref<!tpu.dma_semaphore, #tpu.memory_space<semaphore_mem>>)
    %dma_start3A_32 = arith.constant 0 : i32
    %dma_start3A_33 = arith.constant 2 : i32
    %dma_start3A_34 = arith.constant 0 : i32
    %dma_start3A_35 = arith.constant 0 : i32
    %dma_start3A_36 = arith.constant 200 : i32
    %dma_start3A_37 = arith.constant 0 : i32
    %dma_start3A_38 = tpu.memref_slice %arg8[%dma_start3A_34, %dma_start3A_36, %dma_start3A_37] : memref<3x400x64xf32, #tpu.memory_space<vmem>> -> memref<1x100x64xf32, #tpu.memory_space<vmem>>
    %dma_start3A_39 = tpu.memref_squeeze %dma_start3A_38 : memref<1x100x64xf32, #tpu.memory_space<vmem>> -> memref<100x64xf32, #tpu.memory_space<vmem>>
    %dma_start3A_40 = arith.constant 0 : i32
    %dma_start3A_41 = tpu.memref_slice %arg6[%dma_start3A_32, %dma_start3A_33, %dma_start3A_40] : memref<64x4x100xi32, #tpu.memory_space<vmem>> -> memref<1x1x100xi32, #tpu.memory_space<vmem>>
    %dma_start3A_42 = tpu.memref_squeeze %dma_start3A_41 : memref<1x1x100xi32, #tpu.memory_space<vmem>> -> memref<100xi32, #tpu.memory_space<vmem>>
    %dma_start3A_43 = arith.constant 0 : i32
    %dma_start3A_44 = arith.constant 0 : i32
    %dma_start3A_45 = tpu.memref_slice %arg3[%dma_start3A_43, %dma_start3A_44] : memref<1000000x64xf32, #tpu.memory_space<hbm>> -> memref<1000000x64xf32, #tpu.memory_space<hbm>>
    %dma_start3A_46 = tpu.memref_slice %arg9[%dma_start3A_35] : memref<3x!tpu.dma_semaphore, #tpu.memory_space<semaphore_mem>> -> memref<1x!tpu.dma_semaphore, #tpu.memory_space<semaphore_mem>>
    %dma_start3A_47 = tpu.memref_squeeze %dma_start3A_46 : memref<1x!tpu.dma_semaphore, #tpu.memory_space<semaphore_mem>> -> memref<!tpu.dma_semaphore, #tpu.memory_space<semaphore_mem>>
    tpu.enqueue_indirect_dma source(%dma_start3A_45 : memref<1000000x64xf32, #tpu.memory_space<hbm>>) target(%dma_start3A_39 : memref<100x64xf32, #tpu.memory_space<vmem>>) offsets(%dma_start3A_42 : memref<100xi32, #tpu.memory_space<vmem>>) semaphore(%dma_start3A_47 : memref<!tpu.dma_semaphore, #tpu.memory_space<semaphore_mem>>)
    %dma_start3A_48 = arith.constant 0 : i32
    %dma_start3A_49 = arith.constant 3 : i32
    %dma_start3A_50 = arith.constant 0 : i32
    %dma_start3A_51 = arith.constant 0 : i32
    %dma_start3A_52 = arith.constant 300 : i32
    %dma_start3A_53 = arith.constant 0 : i32
    %dma_start3A_54 = tpu.memref_slice %arg8[%dma_start3A_50, %dma_start3A_52, %dma_start3A_53] : memref<3x400x64xf32, #tpu.memory_space<vmem>> -> memref<1x100x64xf32, #tpu.memory_space<vmem>>
    %dma_start3A_55 = tpu.memref_squeeze %dma_start3A_54 : memref<1x100x64xf32, #tpu.memory_space<vmem>> -> memref<100x64xf32, #tpu.memory_space<vmem>>
    %dma_start3A_56 = arith.constant 0 : i32
    %dma_start3A_57 = tpu.memref_slice %arg6[%dma_start3A_48, %dma_start3A_49, %dma_start3A_56] : memref<64x4x100xi32, #tpu.memory_space<vmem>> -> memref<1x1x100xi32, #tpu.memory_space<vmem>>
    %dma_start3A_58 = tpu.memref_squeeze %dma_start3A_57 : memref<1x1x100xi32, #tpu.memory_space<vmem>> -> memref<100xi32, #tpu.memory_space<vmem>>
    %dma_start3A_59 = arith.constant 0 : i32
    %dma_start3A_60 = arith.constant 0 : i32
    %dma_start3A_61 = tpu.memref_slice %arg3[%dma_start3A_59, %dma_start3A_60] : memref<1000000x64xf32, #tpu.memory_space<hbm>> -> memref<1000000x64xf32, #tpu.memory_space<hbm>>
    %dma_start3A_62 = tpu.memref_slice %arg9[%dma_start3A_51] : memref<3x!tpu.dma_semaphore, #tpu.memory_space<semaphore_mem>> -> memref<1x!tpu.dma_semaphore, #tpu.memory_space<semaphore_mem>>
    %dma_start3A_63 = tpu.memref_squeeze %dma_start3A_62 : memref<1x!tpu.dma_semaphore, #tpu.memory_space<semaphore_mem>> -> memref<!tpu.dma_semaphore, #tpu.memory_space<semaphore_mem>>
    tpu.enqueue_indirect_dma source(%dma_start3A_61 : memref<1000000x64xf32, #tpu.memory_space<hbm>>) target(%dma_start3A_55 : memref<100x64xf32, #tpu.memory_space<vmem>>) offsets(%dma_start3A_58 : memref<100xi32, #tpu.memory_space<vmem>>) semaphore(%dma_start3A_63 : memref<!tpu.dma_semaphore, #tpu.memory_space<semaphore_mem>>)
    %dma_start3A_64 = arith.constant 1 : i32
    %dma_start3A_65 = arith.constant 0 : i32
    %dma_start3A_66 = arith.constant 1 : i32
    %dma_start3A_67 = arith.constant 1 : i32
    %dma_start3A_68 = arith.constant 0 : i32
    %dma_start3A_69 = arith.constant 0 : i32
    %dma_start3A_70 = tpu.memref_slice %arg8[%dma_start3A_66, %dma_start3A_68, %dma_start3A_69] : memref<3x400x64xf32, #tpu.memory_space<vmem>> -> memref<1x100x64xf32, #tpu.memory_space<vmem>>
    %dma_start3A_71 = tpu.memref_squeeze %dma_start3A_70 : memref<1x100x64xf32, #tpu.memory_space<vmem>> -> memref<100x64xf32, #tpu.memory_space<vmem>>
    %dma_start3A_72 = arith.constant 0 : i32
    %dma_start3A_73 = tpu.memref_slice %arg6[%dma_start3A_64, %dma_start3A_65, %dma_start3A_72] : memref<64x4x100xi32, #tpu.memory_space<vmem>> -> memref<1x1x100xi32, #tpu.memory_space<vmem>>
    %dma_start3A_74 = tpu.memref_squeeze %dma_start3A_73 : memref<1x1x100xi32, #tpu.memory_space<vmem>> -> memref<100xi32, #tpu.memory_space<vmem>>
    %dma_start3A_75 = arith.constant 0 : i32
    %dma_start3A_76 = arith.constant 0 : i32
    %dma_start3A_77 = tpu.memref_slice %arg3[%dma_start3A_75, %dma_start3A_76] : memref<1000000x64xf32, #tpu.memory_space<hbm>> -> memref<1000000x64xf32, #tpu.memory_space<hbm>>
    %dma_start3A_78 = tpu.memref_slice %arg9[%dma_start3A_67] : memref<3x!tpu.dma_semaphore, #tpu.memory_space<semaphore_mem>> -> memref<1x!tpu.dma_semaphore, #tpu.memory_space<semaphore_mem>>
    %dma_start3A_79 = tpu.memref_squeeze %dma_start3A_78 : memref<1x!tpu.dma_semaphore, #tpu.memory_space<semaphore_mem>> -> memref<!tpu.dma_semaphore, #tpu.memory_space<semaphore_mem>>
    tpu.enqueue_indirect_dma source(%dma_start3A_77 : memref<1000000x64xf32, #tpu.memory_space<hbm>>) target(%dma_start3A_71 : memref<100x64xf32, #tpu.memory_space<vmem>>) offsets(%dma_start3A_74 : memref<100xi32, #tpu.memory_space<vmem>>) semaphore(%dma_start3A_79 : memref<!tpu.dma_semaphore, #tpu.memory_space<semaphore_mem>>)
    %dma_start3A_80 = arith.constant 1 : i32
    %dma_start3A_81 = arith.constant 1 : i32
    %dma_start3A_82 = arith.constant 1 : i32
    %dma_start3A_83 = arith.constant 1 : i32
    %dma_start3A_84 = arith.constant 100 : i32
    %dma_start3A_85 = arith.constant 0 : i32
    %dma_start3A_86 = tpu.memref_slice %arg8[%dma_start3A_82, %dma_start3A_84, %dma_start3A_85] : memref<3x400x64xf32, #tpu.memory_space<vmem>> -> memref<1x100x64xf32, #tpu.memory_space<vmem>>
    %dma_start3A_87 = tpu.memref_squeeze %dma_start3A_86 : memref<1x100x64xf32, #tpu.memory_space<vmem>> -> memref<100x64xf32, #tpu.memory_space<vmem>>
    %dma_start3A_88 = arith.constant 0 : i32
    %dma_start3A_89 = tpu.memref_slice %arg6[%dma_start3A_80, %dma_start3A_81, %dma_start3A_88] : memref<64x4x100xi32, #tpu.memory_space<vmem>> -> memref<1x1x100xi32, #tpu.memory_space<vmem>>
    %dma_start3A_90 = tpu.memref_squeeze %dma_start3A_89 : memref<1x1x100xi32, #tpu.memory_space<vmem>> -> memref<100xi32, #tpu.memory_space<vmem>>
    %dma_start3A_91 = arith.constant 0 : i32
    %dma_start3A_92 = arith.constant 0 : i32
    %dma_start3A_93 = tpu.memref_slice %arg3[%dma_start3A_91, %dma_start3A_92] : memref<1000000x64xf32, #tpu.memory_space<hbm>> -> memref<1000000x64xf32, #tpu.memory_space<hbm>>
    %dma_start3A_94 = tpu.memref_slice %arg9[%dma_start3A_83] : memref<3x!tpu.dma_semaphore, #tpu.memory_space<semaphore_mem>> -> memref<1x!tpu.dma_semaphore, #tpu.memory_space<semaphore_mem>>
    %dma_start3A_95 = tpu.memref_squeeze %dma_start3A_94 : memref<1x!tpu.dma_semaphore, #tpu.memory_space<semaphore_mem>> -> memref<!tpu.dma_semaphore, #tpu.memory_space<semaphore_mem>>
    tpu.enqueue_indirect_dma source(%dma_start3A_93 : memref<1000000x64xf32, #tpu.memory_space<hbm>>) target(%dma_start3A_87 : memref<100x64xf32, #tpu.memory_space<vmem>>) offsets(%dma_start3A_90 : memref<100xi32, #tpu.memory_space<vmem>>) semaphore(%dma_start3A_95 : memref<!tpu.dma_semaphore, #tpu.memory_space<semaphore_mem>>)
    %dma_start3A_96 = arith.constant 1 : i32
    %dma_start3A_97 = arith.constant 2 : i32
    %dma_start3A_98 = arith.constant 1 : i32
    %dma_start3A_99 = arith.constant 1 : i32
    %dma_start3A_100 = arith.constant 200 : i32
    %dma_start3A_101 = arith.constant 0 : i32
    %dma_start3A_102 = tpu.memref_slice %arg8[%dma_start3A_98, %dma_start3A_100, %dma_start3A_101] : memref<3x400x64xf32, #tpu.memory_space<vmem>> -> memref<1x100x64xf32, #tpu.memory_space<vmem>>
    %dma_start3A_103 = tpu.memref_squeeze %dma_start3A_102 : memref<1x100x64xf32, #tpu.memory_space<vmem>> -> memref<100x64xf32, #tpu.memory_space<vmem>>
    %dma_start3A_104 = arith.constant 0 : i32
    %dma_start3A_105 = tpu.memref_slice %arg6[%dma_start3A_96, %dma_start3A_97, %dma_start3A_104] : memref<64x4x100xi32, #tpu.memory_space<vmem>> -> memref<1x1x100xi32, #tpu.memory_space<vmem>>
    %dma_start3A_106 = tpu.memref_squeeze %dma_start3A_105 : memref<1x1x100xi32, #tpu.memory_space<vmem>> -> memref<100xi32, #tpu.memory_space<vmem>>
    %dma_start3A_107 = arith.constant 0 : i32
    %dma_start3A_108 = arith.constant 0 : i32
    %dma_start3A_109 = tpu.memref_slice %arg3[%dma_start3A_107, %dma_start3A_108] : memref<1000000x64xf32, #tpu.memory_space<hbm>> -> memref<1000000x64xf32, #tpu.memory_space<hbm>>
    %dma_start3A_110 = tpu.memref_slice %arg9[%dma_start3A_99] : memref<3x!tpu.dma_semaphore, #tpu.memory_space<semaphore_mem>> -> memref<1x!tpu.dma_semaphore, #tpu.memory_space<semaphore_mem>>
    %dma_start3A_111 = tpu.memref_squeeze %dma_start3A_110 : memref<1x!tpu.dma_semaphore, #tpu.memory_space<semaphore_mem>> -> memref<!tpu.dma_semaphore, #tpu.memory_space<semaphore_mem>>
    tpu.enqueue_indirect_dma source(%dma_start3A_109 : memref<1000000x64xf32, #tpu.memory_space<hbm>>) target(%dma_start3A_103 : memref<100x64xf32, #tpu.memory_space<vmem>>) offsets(%dma_start3A_106 : memref<100xi32, #tpu.memory_space<vmem>>) semaphore(%dma_start3A_111 : memref<!tpu.dma_semaphore, #tpu.memory_space<semaphore_mem>>)
    %dma_start3A_112 = arith.constant 1 : i32
    %dma_start3A_113 = arith.constant 3 : i32
    %dma_start3A_114 = arith.constant 1 : i32
    %dma_start3A_115 = arith.constant 1 : i32
    %dma_start3A_116 = arith.constant 300 : i32
    %dma_start3A_117 = arith.constant 0 : i32
    %dma_start3A_118 = tpu.memref_slice %arg8[%dma_start3A_114, %dma_start3A_116, %dma_start3A_117] : memref<3x400x64xf32, #tpu.memory_space<vmem>> -> memref<1x100x64xf32, #tpu.memory_space<vmem>>
    %dma_start3A_119 = tpu.memref_squeeze %dma_start3A_118 : memref<1x100x64xf32, #tpu.memory_space<vmem>> -> memref<100x64xf32, #tpu.memory_space<vmem>>
    %dma_start3A_120 = arith.constant 0 : i32
    %dma_start3A_121 = tpu.memref_slice %arg6[%dma_start3A_112, %dma_start3A_113, %dma_start3A_120] : memref<64x4x100xi32, #tpu.memory_space<vmem>> -> memref<1x1x100xi32, #tpu.memory_space<vmem>>
    %dma_start3A_122 = tpu.memref_squeeze %dma_start3A_121 : memref<1x1x100xi32, #tpu.memory_space<vmem>> -> memref<100xi32, #tpu.memory_space<vmem>>
    %dma_start3A_123 = arith.constant 0 : i32
    %dma_start3A_124 = arith.constant 0 : i32
    %dma_start3A_125 = tpu.memref_slice %arg3[%dma_start3A_123, %dma_start3A_124] : memref<1000000x64xf32, #tpu.memory_space<hbm>> -> memref<1000000x64xf32, #tpu.memory_space<hbm>>
    %dma_start3A_126 = tpu.memref_slice %arg9[%dma_start3A_115] : memref<3x!tpu.dma_semaphore, #tpu.memory_space<semaphore_mem>> -> memref<1x!tpu.dma_semaphore, #tpu.memory_space<semaphore_mem>>
    %dma_start3A_127 = tpu.memref_squeeze %dma_start3A_126 : memref<1x!tpu.dma_semaphore, #tpu.memory_space<semaphore_mem>> -> memref<!tpu.dma_semaphore, #tpu.memory_space<semaphore_mem>>
    tpu.enqueue_indirect_dma source(%dma_start3A_125 : memref<1000000x64xf32, #tpu.memory_space<hbm>>) target(%dma_start3A_119 : memref<100x64xf32, #tpu.memory_space<vmem>>) offsets(%dma_start3A_122 : memref<100xi32, #tpu.memory_space<vmem>>) semaphore(%dma_start3A_127 : memref<!tpu.dma_semaphore, #tpu.memory_space<semaphore_mem>>)
    %scan3A = arith.constant 0 : i32
    %scan3A_128 = arith.constant 0 : i32
    %scan3A_129 = arith.constant 64 : i32
    %scan3A_130 = arith.addi %scan3A_128, %scan3A_129 : i32
    %scan3A_131 = arith.constant 1 : i32
    %scan3A_132 = scf.for %scan3A_196 = %scan3A_128 to %scan3A_130 step %scan3A_131 iter_args(%scan3A_197 = %scan3A) -> (i32)  : i32 {
      %rem3A = arith.constant 3 : i32
      %rem3A_198 = arith.remsi %scan3A_196, %rem3A : i32
      %dma_wait3A_199 = arith.constant 0 : i32
      %dma_wait3A_200 = arith.constant 0 : i32
      %dma_wait3A_201 = tpu.memref_slice %arg8[%rem3A_198, %dma_wait3A_199, %dma_wait3A_200] : memref<3x400x64xf32, #tpu.memory_space<vmem>> -> memref<1x400x64xf32, #tpu.memory_space<vmem>>
      %dma_wait3A_202 = tpu.memref_squeeze %dma_wait3A_201 : memref<1x400x64xf32, #tpu.memory_space<vmem>> -> memref<400x64xf32, #tpu.memory_space<vmem>>
      %dma_wait3A_203 = arith.constant 0 : i32
      %dma_wait3A_204 = arith.constant 0 : i32
      %dma_wait3A_205 = tpu.memref_slice %arg5[%add3A, %scan3A_196, %dma_wait3A_203, %dma_wait3A_204] : memref<32x64x400x64xf32, #tpu.memory_space<hbm>> -> memref<1x1x400x64xf32, #tpu.memory_space<hbm>>
      %dma_wait3A_206 = tpu.memref_squeeze %dma_wait3A_205 : memref<1x1x400x64xf32, #tpu.memory_space<hbm>> -> memref<400x64xf32, #tpu.memory_space<hbm>>
      %dma_wait3A_207 = tpu.memref_slice %arg9[%rem3A_198] : memref<3x!tpu.dma_semaphore, #tpu.memory_space<semaphore_mem>> -> memref<1x!tpu.dma_semaphore, #tpu.memory_space<semaphore_mem>>
      %dma_wait3A_208 = tpu.memref_squeeze %dma_wait3A_207 : memref<1x!tpu.dma_semaphore, #tpu.memory_space<semaphore_mem>> -> memref<!tpu.dma_semaphore, #tpu.memory_space<semaphore_mem>>
      %dma_wait3A_209 = arith.constant 0 : i32
      %dma_wait3A_210 = arith.constant 0 : i32
      %dma_wait3A_211 = tpu.memref_slice %arg8[%rem3A_198, %dma_wait3A_209, %dma_wait3A_210] : memref<3x400x64xf32, #tpu.memory_space<vmem>> -> memref<1x400x64xf32, #tpu.memory_space<vmem>>
      %dma_wait3A_212 = tpu.memref_squeeze %dma_wait3A_211 : memref<1x400x64xf32, #tpu.memory_space<vmem>> -> memref<400x64xf32, #tpu.memory_space<vmem>>
      %dma_wait3A_213 = arith.constant 0 : i32
      %dma_wait3A_214 = arith.constant 0 : i32
      %dma_wait3A_215 = tpu.memref_slice %arg5[%add3A, %scan3A_196, %dma_wait3A_213, %dma_wait3A_214] : memref<32x64x400x64xf32, #tpu.memory_space<hbm>> -> memref<1x1x400x64xf32, #tpu.memory_space<hbm>>
      %dma_wait3A_216 = tpu.memref_squeeze %dma_wait3A_215 : memref<1x1x400x64xf32, #tpu.memory_space<hbm>> -> memref<400x64xf32, #tpu.memory_space<hbm>>
      tpu.wait_dma2 semaphore(%dma_wait3A_208 : memref<!tpu.dma_semaphore, #tpu.memory_space<semaphore_mem>>) src(%dma_wait3A_216 : memref<400x64xf32, #tpu.memory_space<hbm>>) dst(%dma_wait3A_212 : memref<400x64xf32, #tpu.memory_space<vmem>>)
      %parallel_loop3A = arith.constant 0 : i32
      %parallel_loop3A_217 = arith.constant 200 : i32
      %parallel_loop3A_218 = arith.constant 1 : i32
      scf.for %parallel_loop3A_243 = %parallel_loop3A to %parallel_loop3A_217 step %parallel_loop3A_218  : i32 {
        %parallel_loop3A_244 = arith.constant 0 : i32
        %parallel_loop3A_245 = arith.addi %parallel_loop3A_244, %parallel_loop3A_243 : i32
        %parallel_loop3A_246 = arith.index_cast %rem3A_198 : i32 to index
        %parallel_loop3A_247 = arith.index_cast %parallel_loop3A_245 : i32 to index
        %parallel_loop3A_248 = arith.constant 0 : index
        %parallel_loop3A_249 = tpu.vector_load %arg8[%parallel_loop3A_246, %parallel_loop3A_247, %parallel_loop3A_248] {strides = array<i32>} : memref<3x400x64xf32, #tpu.memory_space<vmem>>, vector<1x1x16xf32>,
        %parallel_loop3A_250 = vector.shape_cast %parallel_loop3A_249 : vector<1x1x16xf32> to vector<16xf32>
        %parallel_loop3A_251 = arith.index_cast %parallel_loop3A_243 : i32 to index
        %parallel_loop3A_252 = arith.constant 0 : index
        %parallel_loop3A_253 = tpu.vector_load %arg7[%parallel_loop3A_251, %parallel_loop3A_252] {strides = array<i32>} : memref<200x64xf32, #tpu.memory_space<vmem>>, vector<1x16xf32>,
        %parallel_loop3A_254 = vector.shape_cast %parallel_loop3A_253 : vector<1x16xf32> to vector<16xf32>
        %parallel_loop3A_255 = arith.addf %parallel_loop3A_250, %parallel_loop3A_254 : vector<16xf32>
        %parallel_loop3A_256 = arith.index_cast %rem3A_198 : i32 to index
        %parallel_loop3A_257 = arith.index_cast %parallel_loop3A_245 : i32 to index
        %parallel_loop3A_258 = arith.constant 0 : index
        %parallel_loop3A_259 = tpu.vector_load %arg8[%parallel_loop3A_256, %parallel_loop3A_257, %parallel_loop3A_258] {strides = array<i32>} : memref<3x400x64xf32, #tpu.memory_space<vmem>>, vector<1x1x16xf32>,
        %parallel_loop3A_260 = vector.shape_cast %parallel_loop3A_259 : vector<1x1x16xf32> to vector<16xf32>
        %parallel_loop3A_261 = vector.shape_cast %parallel_loop3A_255 : vector<16xf32> to vector<1x1x16xf32>
        tpu.vector_store %arg8[%parallel_loop3A_256, %parallel_loop3A_257, %parallel_loop3A_258], %parallel_loop3A_261 {strides = array<i32>} : memref<3x400x64xf32, #tpu.memory_space<vmem>>, vector<1x1x16xf32>,
        %parallel_loop3A_262 = arith.constant 0 : i32
        %parallel_loop3A_263 = arith.addi %parallel_loop3A_262, %parallel_loop3A_243 : i32
        %parallel_loop3A_264 = arith.index_cast %rem3A_198 : i32 to index
        %parallel_loop3A_265 = arith.index_cast %parallel_loop3A_263 : i32 to index
        %parallel_loop3A_266 = arith.constant 16 : index
        %parallel_loop3A_267 = tpu.vector_load %arg8[%parallel_loop3A_264, %parallel_loop3A_265, %parallel_loop3A_266] {strides = array<i32>} : memref<3x400x64xf32, #tpu.memory_space<vmem>>, vector<1x1x16xf32>,
        %parallel_loop3A_268 = vector.shape_cast %parallel_loop3A_267 : vector<1x1x16xf32> to vector<16xf32>
        %parallel_loop3A_269 = arith.index_cast %parallel_loop3A_243 : i32 to index
        %parallel_loop3A_270 = arith.constant 16 : index
        %parallel_loop3A_271 = tpu.vector_load %arg7[%parallel_loop3A_269, %parallel_loop3A_270] {strides = array<i32>} : memref<200x64xf32, #tpu.memory_space<vmem>>, vector<1x16xf32>,
        %parallel_loop3A_272 = vector.shape_cast %parallel_loop3A_271 : vector<1x16xf32> to vector<16xf32>
        %parallel_loop3A_273 = arith.addf %parallel_loop3A_268, %parallel_loop3A_272 : vector<16xf32>
        %parallel_loop3A_274 = arith.index_cast %rem3A_198 : i32 to index
        %parallel_loop3A_275 = arith.index_cast %parallel_loop3A_263 : i32 to index
        %parallel_loop3A_276 = arith.constant 16 : index
        %parallel_loop3A_277 = tpu.vector_load %arg8[%parallel_loop3A_274, %parallel_loop3A_275, %parallel_loop3A_276] {strides = array<i32>} : memref<3x400x64xf32, #tpu.memory_space<vmem>>, vector<1x1x16xf32>,
        %parallel_loop3A_278 = vector.shape_cast %parallel_loop3A_277 : vector<1x1x16xf32> to vector<16xf32>
        %parallel_loop3A_279 = vector.shape_cast %parallel_loop3A_273 : vector<16xf32> to vector<1x1x16xf32>
        tpu.vector_store %arg8[%parallel_loop3A_274, %parallel_loop3A_275, %parallel_loop3A_276], %parallel_loop3A_279 {strides = array<i32>} : memref<3x400x64xf32, #tpu.memory_space<vmem>>, vector<1x1x16xf32>,
        %parallel_loop3A_280 = arith.constant 0 : i32
        %parallel_loop3A_281 = arith.addi %parallel_loop3A_280, %parallel_loop3A_243 : i32
        %parallel_loop3A_282 = arith.index_cast %rem3A_198 : i32 to index
        %parallel_loop3A_283 = arith.index_cast %parallel_loop3A_281 : i32 to index
        %parallel_loop3A_284 = arith.constant 32 : index
        %parallel_loop3A_285 = tpu.vector_load %arg8[%parallel_loop3A_282, %parallel_loop3A_283, %parallel_loop3A_284] {strides = array<i32>} : memref<3x400x64xf32, #tpu.memory_space<vmem>>, vector<1x1x16xf32>,
        %parallel_loop3A_286 = vector.shape_cast %parallel_loop3A_285 : vector<1x1x16xf32> to vector<16xf32>
        %parallel_loop3A_287 = arith.index_cast %parallel_loop3A_243 : i32 to index
        %parallel_loop3A_288 = arith.constant 32 : index
        %parallel_loop3A_289 = tpu.vector_load %arg7[%parallel_loop3A_287, %parallel_loop3A_288] {strides = array<i32>} : memref<200x64xf32, #tpu.memory_space<vmem>>, vector<1x16xf32>,
        %parallel_loop3A_290 = vector.shape_cast %parallel_loop3A_289 : vector<1x16xf32> to vector<16xf32>
        %parallel_loop3A_291 = arith.addf %parallel_loop3A_286, %parallel_loop3A_290 : vector<16xf32>
        %parallel_loop3A_292 = arith.index_cast %rem3A_198 : i32 to index
        %parallel_loop3A_293 = arith.index_cast %parallel_loop3A_281 : i32 to index
        %parallel_loop3A_294 = arith.constant 32 : index
        %parallel_loop3A_295 = tpu.vector_load %arg8[%parallel_loop3A_292, %parallel_loop3A_293, %parallel_loop3A_294] {strides = array<i32>} : memref<3x400x64xf32, #tpu.memory_space<vmem>>, vector<1x1x16xf32>,
        %parallel_loop3A_296 = vector.shape_cast %parallel_loop3A_295 : vector<1x1x16xf32> to vector<16xf32>
        %parallel_loop3A_297 = vector.shape_cast %parallel_loop3A_291 : vector<16xf32> to vector<1x1x16xf32>
        tpu.vector_store %arg8[%parallel_loop3A_292, %parallel_loop3A_293, %parallel_loop3A_294], %parallel_loop3A_297 {strides = array<i32>} : memref<3x400x64xf32, #tpu.memory_space<vmem>>, vector<1x1x16xf32>,
        %parallel_loop3A_298 = arith.constant 0 : i32
        %parallel_loop3A_299 = arith.addi %parallel_loop3A_298, %parallel_loop3A_243 : i32
        %parallel_loop3A_300 = arith.index_cast %rem3A_198 : i32 to index
        %parallel_loop3A_301 = arith.index_cast %parallel_loop3A_299 : i32 to index
        %parallel_loop3A_302 = arith.constant 48 : index
        %parallel_loop3A_303 = tpu.vector_load %arg8[%parallel_loop3A_300, %parallel_loop3A_301, %parallel_loop3A_302] {strides = array<i32>} : memref<3x400x64xf32, #tpu.memory_space<vmem>>, vector<1x1x16xf32>,
        %parallel_loop3A_304 = vector.shape_cast %parallel_loop3A_303 : vector<1x1x16xf32> to vector<16xf32>
        %parallel_loop3A_305 = arith.index_cast %parallel_loop3A_243 : i32 to index
        %parallel_loop3A_306 = arith.constant 48 : index
        %parallel_loop3A_307 = tpu.vector_load %arg7[%parallel_loop3A_305, %parallel_loop3A_306] {strides = array<i32>} : memref<200x64xf32, #tpu.memory_space<vmem>>, vector<1x16xf32>,
        %parallel_loop3A_308 = vector.shape_cast %parallel_loop3A_307 : vector<1x16xf32> to vector<16xf32>
        %parallel_loop3A_309 = arith.addf %parallel_loop3A_304, %parallel_loop3A_308 : vector<16xf32>
        %parallel_loop3A_310 = arith.index_cast %rem3A_198 : i32 to index
        %parallel_loop3A_311 = arith.index_cast %parallel_loop3A_299 : i32 to index
        %parallel_loop3A_312 = arith.constant 48 : index
        %parallel_loop3A_313 = tpu.vector_load %arg8[%parallel_loop3A_310, %parallel_loop3A_311, %parallel_loop3A_312] {strides = array<i32>} : memref<3x400x64xf32, #tpu.memory_space<vmem>>, vector<1x1x16xf32>,
        %parallel_loop3A_314 = vector.shape_cast %parallel_loop3A_313 : vector<1x1x16xf32> to vector<16xf32>
        %parallel_loop3A_315 = vector.shape_cast %parallel_loop3A_309 : vector<16xf32> to vector<1x1x16xf32>
        tpu.vector_store %arg8[%parallel_loop3A_310, %parallel_loop3A_311, %parallel_loop3A_312], %parallel_loop3A_315 {strides = array<i32>} : memref<3x400x64xf32, #tpu.memory_space<vmem>>, vector<1x1x16xf32>,
        %parallel_loop3A_316 = arith.constant 200 : i32
        %parallel_loop3A_317 = arith.addi %parallel_loop3A_316, %parallel_loop3A_243 : i32
        %parallel_loop3A_318 = arith.index_cast %rem3A_198 : i32 to index
        %parallel_loop3A_319 = arith.index_cast %parallel_loop3A_317 : i32 to index
        %parallel_loop3A_320 = arith.constant 0 : index
        %parallel_loop3A_321 = tpu.vector_load %arg8[%parallel_loop3A_318, %parallel_loop3A_319, %parallel_loop3A_320] {strides = array<i32>} : memref<3x400x64xf32, #tpu.memory_space<vmem>>, vector<1x1x16xf32>,
        %parallel_loop3A_322 = vector.shape_cast %parallel_loop3A_321 : vector<1x1x16xf32> to vector<16xf32>
        %parallel_loop3A_323 = arith.index_cast %parallel_loop3A_243 : i32 to index
        %parallel_loop3A_324 = arith.constant 0 : index
        %parallel_loop3A_325 = tpu.vector_load %arg7[%parallel_loop3A_323, %parallel_loop3A_324] {strides = array<i32>} : memref<200x64xf32, #tpu.memory_space<vmem>>, vector<1x16xf32>,
        %parallel_loop3A_326 = vector.shape_cast %parallel_loop3A_325 : vector<1x16xf32> to vector<16xf32>
        %parallel_loop3A_327 = arith.addf %parallel_loop3A_322, %parallel_loop3A_326 : vector<16xf32>
        %parallel_loop3A_328 = arith.index_cast %rem3A_198 : i32 to index
        %parallel_loop3A_329 = arith.index_cast %parallel_loop3A_317 : i32 to index
        %parallel_loop3A_330 = arith.constant 0 : index
        %parallel_loop3A_331 = tpu.vector_load %arg8[%parallel_loop3A_328, %parallel_loop3A_329, %parallel_loop3A_330] {strides = array<i32>} : memref<3x400x64xf32, #tpu.memory_space<vmem>>, vector<1x1x16xf32>,
        %parallel_loop3A_332 = vector.shape_cast %parallel_loop3A_331 : vector<1x1x16xf32> to vector<16xf32>
        %parallel_loop3A_333 = vector.shape_cast %parallel_loop3A_327 : vector<16xf32> to vector<1x1x16xf32>
        tpu.vector_store %arg8[%parallel_loop3A_328, %parallel_loop3A_329, %parallel_loop3A_330], %parallel_loop3A_333 {strides = array<i32>} : memref<3x400x64xf32, #tpu.memory_space<vmem>>, vector<1x1x16xf32>,
        %parallel_loop3A_334 = arith.constant 200 : i32
        %parallel_loop3A_335 = arith.addi %parallel_loop3A_334, %parallel_loop3A_243 : i32
        %parallel_loop3A_336 = arith.index_cast %rem3A_198 : i32 to index
        %parallel_loop3A_337 = arith.index_cast %parallel_loop3A_335 : i32 to index
        %parallel_loop3A_338 = arith.constant 16 : index
        %parallel_loop3A_339 = tpu.vector_load %arg8[%parallel_loop3A_336, %parallel_loop3A_337, %parallel_loop3A_338] {strides = array<i32>} : memref<3x400x64xf32, #tpu.memory_space<vmem>>, vector<1x1x16xf32>,
        %parallel_loop3A_340 = vector.shape_cast %parallel_loop3A_339 : vector<1x1x16xf32> to vector<16xf32>
        %parallel_loop3A_341 = arith.index_cast %parallel_loop3A_243 : i32 to index
        %parallel_loop3A_342 = arith.constant 16 : index
        %parallel_loop3A_343 = tpu.vector_load %arg7[%parallel_loop3A_341, %parallel_loop3A_342] {strides = array<i32>} : memref<200x64xf32, #tpu.memory_space<vmem>>, vector<1x16xf32>,
        %parallel_loop3A_344 = vector.shape_cast %parallel_loop3A_343 : vector<1x16xf32> to vector<16xf32>
        %parallel_loop3A_345 = arith.addf %parallel_loop3A_340, %parallel_loop3A_344 : vector<16xf32>
        %parallel_loop3A_346 = arith.index_cast %rem3A_198 : i32 to index
        %parallel_loop3A_347 = arith.index_cast %parallel_loop3A_335 : i32 to index
        %parallel_loop3A_348 = arith.constant 16 : index
        %parallel_loop3A_349 = tpu.vector_load %arg8[%parallel_loop3A_346, %parallel_loop3A_347, %parallel_loop3A_348] {strides = array<i32>} : memref<3x400x64xf32, #tpu.memory_space<vmem>>, vector<1x1x16xf32>,
        %parallel_loop3A_350 = vector.shape_cast %parallel_loop3A_349 : vector<1x1x16xf32> to vector<16xf32>
        %parallel_loop3A_351 = vector.shape_cast %parallel_loop3A_345 : vector<16xf32> to vector<1x1x16xf32>
        tpu.vector_store %arg8[%parallel_loop3A_346, %parallel_loop3A_347, %parallel_loop3A_348], %parallel_loop3A_351 {strides = array<i32>} : memref<3x400x64xf32, #tpu.memory_space<vmem>>, vector<1x1x16xf32>,
        %parallel_loop3A_352 = arith.constant 200 : i32
        %parallel_loop3A_353 = arith.addi %parallel_loop3A_352, %parallel_loop3A_243 : i32
        %parallel_loop3A_354 = arith.index_cast %rem3A_198 : i32 to index
        %parallel_loop3A_355 = arith.index_cast %parallel_loop3A_353 : i32 to index
        %parallel_loop3A_356 = arith.constant 32 : index
        %parallel_loop3A_357 = tpu.vector_load %arg8[%parallel_loop3A_354, %parallel_loop3A_355, %parallel_loop3A_356] {strides = array<i32>} : memref<3x400x64xf32, #tpu.memory_space<vmem>>, vector<1x1x16xf32>,
        %parallel_loop3A_358 = vector.shape_cast %parallel_loop3A_357 : vector<1x1x16xf32> to vector<16xf32>
        %parallel_loop3A_359 = arith.index_cast %parallel_loop3A_243 : i32 to index
        %parallel_loop3A_360 = arith.constant 32 : index
        %parallel_loop3A_361 = tpu.vector_load %arg7[%parallel_loop3A_359, %parallel_loop3A_360] {strides = array<i32>} : memref<200x64xf32, #tpu.memory_space<vmem>>, vector<1x16xf32>,
        %parallel_loop3A_362 = vector.shape_cast %parallel_loop3A_361 : vector<1x16xf32> to vector<16xf32>
        %parallel_loop3A_363 = arith.addf %parallel_loop3A_358, %parallel_loop3A_362 : vector<16xf32>
        %parallel_loop3A_364 = arith.index_cast %rem3A_198 : i32 to index
        %parallel_loop3A_365 = arith.index_cast %parallel_loop3A_353 : i32 to index
        %parallel_loop3A_366 = arith.constant 32 : index
        %parallel_loop3A_367 = tpu.vector_load %arg8[%parallel_loop3A_364, %parallel_loop3A_365, %parallel_loop3A_366] {strides = array<i32>} : memref<3x400x64xf32, #tpu.memory_space<vmem>>, vector<1x1x16xf32>,
        %parallel_loop3A_368 = vector.shape_cast %parallel_loop3A_367 : vector<1x1x16xf32> to vector<16xf32>
        %parallel_loop3A_369 = vector.shape_cast %parallel_loop3A_363 : vector<16xf32> to vector<1x1x16xf32>
        tpu.vector_store %arg8[%parallel_loop3A_364, %parallel_loop3A_365, %parallel_loop3A_366], %parallel_loop3A_369 {strides = array<i32>} : memref<3x400x64xf32, #tpu.memory_space<vmem>>, vector<1x1x16xf32>,
        %parallel_loop3A_370 = arith.constant 200 : i32
        %parallel_loop3A_371 = arith.addi %parallel_loop3A_370, %parallel_loop3A_243 : i32
        %parallel_loop3A_372 = arith.index_cast %rem3A_198 : i32 to index
        %parallel_loop3A_373 = arith.index_cast %parallel_loop3A_371 : i32 to index
        %parallel_loop3A_374 = arith.constant 48 : index
        %parallel_loop3A_375 = tpu.vector_load %arg8[%parallel_loop3A_372, %parallel_loop3A_373, %parallel_loop3A_374] {strides = array<i32>} : memref<3x400x64xf32, #tpu.memory_space<vmem>>, vector<1x1x16xf32>,
        %parallel_loop3A_376 = vector.shape_cast %parallel_loop3A_375 : vector<1x1x16xf32> to vector<16xf32>
        %parallel_loop3A_377 = arith.index_cast %parallel_loop3A_243 : i32 to index
        %parallel_loop3A_378 = arith.constant 48 : index
        %parallel_loop3A_379 = tpu.vector_load %arg7[%parallel_loop3A_377, %parallel_loop3A_378] {strides = array<i32>} : memref<200x64xf32, #tpu.memory_space<vmem>>, vector<1x16xf32>,
        %parallel_loop3A_380 = vector.shape_cast %parallel_loop3A_379 : vector<1x16xf32> to vector<16xf32>
        %parallel_loop3A_381 = arith.addf %parallel_loop3A_376, %parallel_loop3A_380 : vector<16xf32>
        %parallel_loop3A_382 = arith.index_cast %rem3A_198 : i32 to index
        %parallel_loop3A_383 = arith.index_cast %parallel_loop3A_371 : i32 to index
        %parallel_loop3A_384 = arith.constant 48 : index
        %parallel_loop3A_385 = tpu.vector_load %arg8[%parallel_loop3A_382, %parallel_loop3A_383, %parallel_loop3A_384] {strides = array<i32>} : memref<3x400x64xf32, #tpu.memory_space<vmem>>, vector<1x1x16xf32>,
        %parallel_loop3A_386 = vector.shape_cast %parallel_loop3A_385 : vector<1x1x16xf32> to vector<16xf32>
        %parallel_loop3A_387 = vector.shape_cast %parallel_loop3A_381 : vector<16xf32> to vector<1x1x16xf32>
        tpu.vector_store %arg8[%parallel_loop3A_382, %parallel_loop3A_383, %parallel_loop3A_384], %parallel_loop3A_387 {strides = array<i32>} : memref<3x400x64xf32, #tpu.memory_space<vmem>>, vector<1x1x16xf32>,
      } {sc.loop_unroll_factor = 8 : i64, sc.parallel_access}
      %dma_start3A_219 = arith.constant 0 : i32
      %dma_start3A_220 = arith.constant 0 : i32
      %dma_start3A_221 = tpu.memref_slice %arg8[%rem3A_198, %dma_start3A_219, %dma_start3A_220] : memref<3x400x64xf32, #tpu.memory_space<vmem>> -> memref<1x400x64xf32, #tpu.memory_space<vmem>>
      %dma_start3A_222 = tpu.memref_squeeze %dma_start3A_221 : memref<1x400x64xf32, #tpu.memory_space<vmem>> -> memref<400x64xf32, #tpu.memory_space<vmem>>
      %dma_start3A_223 = arith.constant 0 : i32
      %dma_start3A_224 = arith.constant 0 : i32
      %dma_start3A_225 = tpu.memref_slice %arg5[%add3A, %scan3A_196, %dma_start3A_223, %dma_start3A_224] : memref<32x64x400x64xf32, #tpu.memory_space<hbm>> -> memref<1x1x400x64xf32, #tpu.memory_space<hbm>>
      %dma_start3A_226 = tpu.memref_squeeze %dma_start3A_225 : memref<1x1x400x64xf32, #tpu.memory_space<hbm>> -> memref<400x64xf32, #tpu.memory_space<hbm>>
      %dma_start3A_227 = tpu.memref_slice %arg10[%rem3A_198] : memref<3x!tpu.dma_semaphore, #tpu.memory_space<semaphore_mem>> -> memref<1x!tpu.dma_semaphore, #tpu.memory_space<semaphore_mem>>
      %dma_start3A_228 = tpu.memref_squeeze %dma_start3A_227 : memref<1x!tpu.dma_semaphore, #tpu.memory_space<semaphore_mem>> -> memref<!tpu.dma_semaphore, #tpu.memory_space<semaphore_mem>>
      %dma_start3A_229 = arith.constant 0 : i32
      %dma_start3A_230 = arith.constant 0 : i32
      %dma_start3A_231 = tpu.memref_slice %arg5[%add3A, %scan3A_196, %dma_start3A_229, %dma_start3A_230] : memref<32x64x400x64xf32, #tpu.memory_space<hbm>> -> memref<1x1x400x64xf32, #tpu.memory_space<hbm>>
      %dma_start3A_232 = tpu.memref_squeeze %dma_start3A_231 : memref<1x1x400x64xf32, #tpu.memory_space<hbm>> -> memref<400x64xf32, #tpu.memory_space<hbm>>
      %dma_start3A_233 = arith.constant 0 : i32
      %dma_start3A_234 = arith.constant 0 : i32
      %dma_start3A_235 = tpu.memref_slice %arg8[%rem3A_198, %dma_start3A_233, %dma_start3A_234] : memref<3x400x64xf32, #tpu.memory_space<vmem>> -> memref<1x400x64xf32, #tpu.memory_space<vmem>>
      %dma_start3A_236 = tpu.memref_squeeze %dma_start3A_235 : memref<1x400x64xf32, #tpu.memory_space<vmem>> -> memref<400x64xf32, #tpu.memory_space<vmem>>
      tpu.enqueue_dma source(%dma_start3A_236 : memref<400x64xf32, #tpu.memory_space<vmem>>) target(%dma_start3A_232 : memref<400x64xf32, #tpu.memory_space<hbm>>) target_semaphore(%dma_start3A_228 : memref<!tpu.dma_semaphore, #tpu.memory_space<semaphore_mem>>)
      %add3A_237 = arith.constant 3 : i32
      %add3A_238 = arith.addi %scan3A_196, %add3A_237 : i32
      %sub3A = arith.constant 1 : i32
      %sub3A_239 = arith.subi %add3A_238, %sub3A : i32
      %lt3A = arith.constant 64 : i32
      %lt3A_240 = arith.cmpi slt, %sub3A_239, %lt3A : i32
      %convert_element_type3A = arith.extui %lt3A_240 : i1 to i32
      %cond3A = arith.constant 0 : i32
      %cond3A_241 = arith.cmpi ne, %convert_element_type3A, %cond3A : i32
      scf.if %cond3A_241 {
        %rem3A_243 = arith.constant 3 : i32
        %rem3A_244 = arith.remsi %sub3A_239, %rem3A_243 : i32
        %ge3A = arith.constant 3 : i32
        %ge3A_245 = arith.cmpi sge, %sub3A_239, %ge3A : i32
        %convert_element_type3A_246 = arith.extui %ge3A_245 : i1 to i32
        %cond3A_247 = arith.constant 0 : i32
        %cond3A_248 = arith.cmpi ne, %convert_element_type3A_246, %cond3A_247 : i32
        scf.if %cond3A_248 {
          %sub3A_301 = arith.constant 3 : i32
          %sub3A_302 = arith.subi %sub3A_239, %sub3A_301 : i32
          %dma_wait3A_303 = arith.constant 0 : i32
          %dma_wait3A_304 = arith.constant 0 : i32
          %dma_wait3A_305 = tpu.memref_slice %arg8[%rem3A_244, %dma_wait3A_303, %dma_wait3A_304] : memref<3x400x64xf32, #tpu.memory_space<vmem>> -> memref<1x400x64xf32, #tpu.memory_space<vmem>>
          %dma_wait3A_306 = tpu.memref_squeeze %dma_wait3A_305 : memref<1x400x64xf32, #tpu.memory_space<vmem>> -> memref<400x64xf32, #tpu.memory_space<vmem>>
          %dma_wait3A_307 = arith.constant 0 : i32
          %dma_wait3A_308 = arith.constant 0 : i32
          %dma_wait3A_309 = tpu.memref_slice %arg5[%add3A, %sub3A_302, %dma_wait3A_307, %dma_wait3A_308] : memref<32x64x400x64xf32, #tpu.memory_space<hbm>> -> memref<1x1x400x64xf32, #tpu.memory_space<hbm>>
          %dma_wait3A_310 = tpu.memref_squeeze %dma_wait3A_309 : memref<1x1x400x64xf32, #tpu.memory_space<hbm>> -> memref<400x64xf32, #tpu.memory_space<hbm>>
          %dma_wait3A_311 = tpu.memref_slice %arg10[%rem3A_244] : memref<3x!tpu.dma_semaphore, #tpu.memory_space<semaphore_mem>> -> memref<1x!tpu.dma_semaphore, #tpu.memory_space<semaphore_mem>>
          %dma_wait3A_312 = tpu.memref_squeeze %dma_wait3A_311 : memref<1x!tpu.dma_semaphore, #tpu.memory_space<semaphore_mem>> -> memref<!tpu.dma_semaphore, #tpu.memory_space<semaphore_mem>>
          %dma_wait3A_313 = arith.constant 0 : i32
          %dma_wait3A_314 = arith.constant 0 : i32
          %dma_wait3A_315 = tpu.memref_slice %arg5[%add3A, %sub3A_302, %dma_wait3A_313, %dma_wait3A_314] : memref<32x64x400x64xf32, #tpu.memory_space<hbm>> -> memref<1x1x400x64xf32, #tpu.memory_space<hbm>>
          %dma_wait3A_316 = tpu.memref_squeeze %dma_wait3A_315 : memref<1x1x400x64xf32, #tpu.memory_space<hbm>> -> memref<400x64xf32, #tpu.memory_space<hbm>>
          %dma_wait3A_317 = arith.constant 0 : i32
          %dma_wait3A_318 = arith.constant 0 : i32
          %dma_wait3A_319 = tpu.memref_slice %arg8[%rem3A_244, %dma_wait3A_317, %dma_wait3A_318] : memref<3x400x64xf32, #tpu.memory_space<vmem>> -> memref<1x400x64xf32, #tpu.memory_space<vmem>>
          %dma_wait3A_320 = tpu.memref_squeeze %dma_wait3A_319 : memref<1x400x64xf32, #tpu.memory_space<vmem>> -> memref<400x64xf32, #tpu.memory_space<vmem>>
          tpu.wait_dma2 semaphore(%dma_wait3A_312 : memref<!tpu.dma_semaphore, #tpu.memory_space<semaphore_mem>>) src(%dma_wait3A_320 : memref<400x64xf32, #tpu.memory_space<vmem>>) dst(%dma_wait3A_316 : memref<400x64xf32, #tpu.memory_space<hbm>>)
        } else {
        }
        %dma_start3A_249 = arith.constant 0 : i32
        %dma_start3A_250 = arith.constant 0 : i32
        %dma_start3A_251 = arith.constant 0 : i32
        %dma_start3A_252 = tpu.memref_slice %arg8[%rem3A_244, %dma_start3A_250, %dma_start3A_251] : memref<3x400x64xf32, #tpu.memory_space<vmem>> -> memref<1x100x64xf32, #tpu.memory_space<vmem>>
        %dma_start3A_253 = tpu.memref_squeeze %dma_start3A_252 : memref<1x100x64xf32, #tpu.memory_space<vmem>> -> memref<100x64xf32, #tpu.memory_space<vmem>>
        %dma_start3A_254 = arith.constant 0 : i32
        %dma_start3A_255 = tpu.memref_slice %arg6[%sub3A_239, %dma_start3A_249, %dma_start3A_254] : memref<64x4x100xi32, #tpu.memory_space<vmem>> -> memref<1x1x100xi32, #tpu.memory_space<vmem>>
        %dma_start3A_256 = tpu.memref_squeeze %dma_start3A_255 : memref<1x1x100xi32, #tpu.memory_space<vmem>> -> memref<100xi32, #tpu.memory_space<vmem>>
        %dma_start3A_257 = arith.constant 0 : i32
        %dma_start3A_258 = arith.constant 0 : i32
        %dma_start3A_259 = tpu.memref_slice %arg3[%dma_start3A_257, %dma_start3A_258] : memref<1000000x64xf32, #tpu.memory_space<hbm>> -> memref<1000000x64xf32, #tpu.memory_space<hbm>>
        %dma_start3A_260 = tpu.memref_slice %arg9[%rem3A_244] : memref<3x!tpu.dma_semaphore, #tpu.memory_space<semaphore_mem>> -> memref<1x!tpu.dma_semaphore, #tpu.memory_space<semaphore_mem>>
        %dma_start3A_261 = tpu.memref_squeeze %dma_start3A_260 : memref<1x!tpu.dma_semaphore, #tpu.memory_space<semaphore_mem>> -> memref<!tpu.dma_semaphore, #tpu.memory_space<semaphore_mem>>
        tpu.enqueue_indirect_dma source(%dma_start3A_259 : memref<1000000x64xf32, #tpu.memory_space<hbm>>) target(%dma_start3A_253 : memref<100x64xf32, #tpu.memory_space<vmem>>) offsets(%dma_start3A_256 : memref<100xi32, #tpu.memory_space<vmem>>) semaphore(%dma_start3A_261 : memref<!tpu.dma_semaphore, #tpu.memory_space<semaphore_mem>>)
        %dma_start3A_262 = arith.constant 1 : i32
        %dma_start3A_263 = arith.constant 100 : i32
        %dma_start3A_264 = arith.constant 0 : i32
        %dma_start3A_265 = tpu.memref_slice %arg8[%rem3A_244, %dma_start3A_263, %dma_start3A_264] : memref<3x400x64xf32, #tpu.memory_space<vmem>> -> memref<1x100x64xf32, #tpu.memory_space<vmem>>
        %dma_start3A_266 = tpu.memref_squeeze %dma_start3A_265 : memref<1x100x64xf32, #tpu.memory_space<vmem>> -> memref<100x64xf32, #tpu.memory_space<vmem>>
        %dma_start3A_267 = arith.constant 0 : i32
        %dma_start3A_268 = tpu.memref_slice %arg6[%sub3A_239, %dma_start3A_262, %dma_start3A_267] : memref<64x4x100xi32, #tpu.memory_space<vmem>> -> memref<1x1x100xi32, #tpu.memory_space<vmem>>
        %dma_start3A_269 = tpu.memref_squeeze %dma_start3A_268 : memref<1x1x100xi32, #tpu.memory_space<vmem>> -> memref<100xi32, #tpu.memory_space<vmem>>
        %dma_start3A_270 = arith.constant 0 : i32
        %dma_start3A_271 = arith.constant 0 : i32
        %dma_start3A_272 = tpu.memref_slice %arg3[%dma_start3A_270, %dma_start3A_271] : memref<1000000x64xf32, #tpu.memory_space<hbm>> -> memref<1000000x64xf32, #tpu.memory_space<hbm>>
        %dma_start3A_273 = tpu.memref_slice %arg9[%rem3A_244] : memref<3x!tpu.dma_semaphore, #tpu.memory_space<semaphore_mem>> -> memref<1x!tpu.dma_semaphore, #tpu.memory_space<semaphore_mem>>
        %dma_start3A_274 = tpu.memref_squeeze %dma_start3A_273 : memref<1x!tpu.dma_semaphore, #tpu.memory_space<semaphore_mem>> -> memref<!tpu.dma_semaphore, #tpu.memory_space<semaphore_mem>>
        tpu.enqueue_indirect_dma source(%dma_start3A_272 : memref<1000000x64xf32, #tpu.memory_space<hbm>>) target(%dma_start3A_266 : memref<100x64xf32, #tpu.memory_space<vmem>>) offsets(%dma_start3A_269 : memref<100xi32, #tpu.memory_space<vmem>>) semaphore(%dma_start3A_274 : memref<!tpu.dma_semaphore, #tpu.memory_space<semaphore_mem>>)
        %dma_start3A_275 = arith.constant 2 : i32
        %dma_start3A_276 = arith.constant 200 : i32
        %dma_start3A_277 = arith.constant 0 : i32
        %dma_start3A_278 = tpu.memref_slice %arg8[%rem3A_244, %dma_start3A_276, %dma_start3A_277] : memref<3x400x64xf32, #tpu.memory_space<vmem>> -> memref<1x100x64xf32, #tpu.memory_space<vmem>>
        %dma_start3A_279 = tpu.memref_squeeze %dma_start3A_278 : memref<1x100x64xf32, #tpu.memory_space<vmem>> -> memref<100x64xf32, #tpu.memory_space<vmem>>
        %dma_start3A_280 = arith.constant 0 : i32
        %dma_start3A_281 = tpu.memref_slice %arg6[%sub3A_239, %dma_start3A_275, %dma_start3A_280] : memref<64x4x100xi32, #tpu.memory_space<vmem>> -> memref<1x1x100xi32, #tpu.memory_space<vmem>>
        %dma_start3A_282 = tpu.memref_squeeze %dma_start3A_281 : memref<1x1x100xi32, #tpu.memory_space<vmem>> -> memref<100xi32, #tpu.memory_space<vmem>>
        %dma_start3A_283 = arith.constant 0 : i32
        %dma_start3A_284 = arith.constant 0 : i32
        %dma_start3A_285 = tpu.memref_slice %arg3[%dma_start3A_283, %dma_start3A_284] : memref<1000000x64xf32, #tpu.memory_space<hbm>> -> memref<1000000x64xf32, #tpu.memory_space<hbm>>
        %dma_start3A_286 = tpu.memref_slice %arg9[%rem3A_244] : memref<3x!tpu.dma_semaphore, #tpu.memory_space<semaphore_mem>> -> memref<1x!tpu.dma_semaphore, #tpu.memory_space<semaphore_mem>>
        %dma_start3A_287 = tpu.memref_squeeze %dma_start3A_286 : memref<1x!tpu.dma_semaphore, #tpu.memory_space<semaphore_mem>> -> memref<!tpu.dma_semaphore, #tpu.memory_space<semaphore_mem>>
        tpu.enqueue_indirect_dma source(%dma_start3A_285 : memref<1000000x64xf32, #tpu.memory_space<hbm>>) target(%dma_start3A_279 : memref<100x64xf32, #tpu.memory_space<vmem>>) offsets(%dma_start3A_282 : memref<100xi32, #tpu.memory_space<vmem>>) semaphore(%dma_start3A_287 : memref<!tpu.dma_semaphore, #tpu.memory_space<semaphore_mem>>)
        %dma_start3A_288 = arith.constant 3 : i32
        %dma_start3A_289 = arith.constant 300 : i32
        %dma_start3A_290 = arith.constant 0 : i32
        %dma_start3A_291 = tpu.memref_slice %arg8[%rem3A_244, %dma_start3A_289, %dma_start3A_290] : memref<3x400x64xf32, #tpu.memory_space<vmem>> -> memref<1x100x64xf32, #tpu.memory_space<vmem>>
        %dma_start3A_292 = tpu.memref_squeeze %dma_start3A_291 : memref<1x100x64xf32, #tpu.memory_space<vmem>> -> memref<100x64xf32, #tpu.memory_space<vmem>>
        %dma_start3A_293 = arith.constant 0 : i32
        %dma_start3A_294 = tpu.memref_slice %arg6[%sub3A_239, %dma_start3A_288, %dma_start3A_293] : memref<64x4x100xi32, #tpu.memory_space<vmem>> -> memref<1x1x100xi32, #tpu.memory_space<vmem>>
        %dma_start3A_295 = tpu.memref_squeeze %dma_start3A_294 : memref<1x1x100xi32, #tpu.memory_space<vmem>> -> memref<100xi32, #tpu.memory_space<vmem>>
        %dma_start3A_296 = arith.constant 0 : i32
        %dma_start3A_297 = arith.constant 0 : i32
        %dma_start3A_298 = tpu.memref_slice %arg3[%dma_start3A_296, %dma_start3A_297] : memref<1000000x64xf32, #tpu.memory_space<hbm>> -> memref<1000000x64xf32, #tpu.memory_space<hbm>>
        %dma_start3A_299 = tpu.memref_slice %arg9[%rem3A_244] : memref<3x!tpu.dma_semaphore, #tpu.memory_space<semaphore_mem>> -> memref<1x!tpu.dma_semaphore, #tpu.memory_space<semaphore_mem>>
        %dma_start3A_300 = tpu.memref_squeeze %dma_start3A_299 : memref<1x!tpu.dma_semaphore, #tpu.memory_space<semaphore_mem>> -> memref<!tpu.dma_semaphore, #tpu.memory_space<semaphore_mem>>
        tpu.enqueue_indirect_dma source(%dma_start3A_298 : memref<1000000x64xf32, #tpu.memory_space<hbm>>) target(%dma_start3A_292 : memref<100x64xf32, #tpu.memory_space<vmem>>) offsets(%dma_start3A_295 : memref<100xi32, #tpu.memory_space<vmem>>) semaphore(%dma_start3A_300 : memref<!tpu.dma_semaphore, #tpu.memory_space<semaphore_mem>>)
      } else {
      }
      %scan3A_242 = arith.constant 0 : i32
      scf.yield %scan3A_242 : i32
    }
    %scan3A_133 = arith.constant 64 : i32
    %dma_wait3A = arith.constant 1 : i32
    %dma_wait3A_134 = arith.constant 61 : i32
    %dma_wait3A_135 = arith.constant 1 : i32
    %dma_wait3A_136 = arith.constant 0 : i32
    %dma_wait3A_137 = arith.constant 0 : i32
    %dma_wait3A_138 = tpu.memref_slice %arg8[%dma_wait3A, %dma_wait3A_136, %dma_wait3A_137] : memref<3x400x64xf32, #tpu.memory_space<vmem>> -> memref<1x400x64xf32, #tpu.memory_space<vmem>>
    %dma_wait3A_139 = tpu.memref_squeeze %dma_wait3A_138 : memref<1x400x64xf32, #tpu.memory_space<vmem>> -> memref<400x64xf32, #tpu.memory_space<vmem>>
    %dma_wait3A_140 = arith.constant 0 : i32
    %dma_wait3A_141 = arith.constant 0 : i32
    %dma_wait3A_142 = tpu.memref_slice %arg5[%add3A, %dma_wait3A_134, %dma_wait3A_140, %dma_wait3A_141] : memref<32x64x400x64xf32, #tpu.memory_space<hbm>> -> memref<1x1x400x64xf32, #tpu.memory_space<hbm>>
    %dma_wait3A_143 = tpu.memref_squeeze %dma_wait3A_142 : memref<1x1x400x64xf32, #tpu.memory_space<hbm>> -> memref<400x64xf32, #tpu.memory_space<hbm>>
    %dma_wait3A_144 = tpu.memref_slice %arg10[%dma_wait3A_135] : memref<3x!tpu.dma_semaphore, #tpu.memory_space<semaphore_mem>> -> memref<1x!tpu.dma_semaphore, #tpu.memory_space<semaphore_mem>>
    %dma_wait3A_145 = tpu.memref_squeeze %dma_wait3A_144 : memref<1x!tpu.dma_semaphore, #tpu.memory_space<semaphore_mem>> -> memref<!tpu.dma_semaphore, #tpu.memory_space<semaphore_mem>>
    %dma_wait3A_146 = arith.constant 0 : i32
    %dma_wait3A_147 = arith.constant 0 : i32
    %dma_wait3A_148 = tpu.memref_slice %arg5[%add3A, %dma_wait3A_134, %dma_wait3A_146, %dma_wait3A_147] : memref<32x64x400x64xf32, #tpu.memory_space<hbm>> -> memref<1x1x400x64xf32, #tpu.memory_space<hbm>>
    %dma_wait3A_149 = tpu.memref_squeeze %dma_wait3A_148 : memref<1x1x400x64xf32, #tpu.memory_space<hbm>> -> memref<400x64xf32, #tpu.memory_space<hbm>>
    %dma_wait3A_150 = arith.constant 0 : i32
    %dma_wait3A_151 = arith.constant 0 : i32
    %dma_wait3A_152 = tpu.memref_slice %arg8[%dma_wait3A, %dma_wait3A_150, %dma_wait3A_151] : memref<3x400x64xf32, #tpu.memory_space<vmem>> -> memref<1x400x64xf32, #tpu.memory_space<vmem>>
    %dma_wait3A_153 = tpu.memref_squeeze %dma_wait3A_152 : memref<1x400x64xf32, #tpu.memory_space<vmem>> -> memref<400x64xf32, #tpu.memory_space<vmem>>
    tpu.wait_dma2 semaphore(%dma_wait3A_145 : memref<!tpu.dma_semaphore, #tpu.memory_space<semaphore_mem>>) src(%dma_wait3A_153 : memref<400x64xf32, #tpu.memory_space<vmem>>) dst(%dma_wait3A_149 : memref<400x64xf32, #tpu.memory_space<hbm>>)
    %dma_wait3A_154 = arith.constant 2 : i32
    %dma_wait3A_155 = arith.constant 62 : i32
    %dma_wait3A_156 = arith.constant 2 : i32
    %dma_wait3A_157 = arith.constant 0 : i32
    %dma_wait3A_158 = arith.constant 0 : i32
    %dma_wait3A_159 = tpu.memref_slice %arg8[%dma_wait3A_154, %dma_wait3A_157, %dma_wait3A_158] : memref<3x400x64xf32, #tpu.memory_space<vmem>> -> memref<1x400x64xf32, #tpu.memory_space<vmem>>
    %dma_wait3A_160 = tpu.memref_squeeze %dma_wait3A_159 : memref<1x400x64xf32, #tpu.memory_space<vmem>> -> memref<400x64xf32, #tpu.memory_space<vmem>>
    %dma_wait3A_161 = arith.constant 0 : i32
    %dma_wait3A_162 = arith.constant 0 : i32
    %dma_wait3A_163 = tpu.memref_slice %arg5[%add3A, %dma_wait3A_155, %dma_wait3A_161, %dma_wait3A_162] : memref<32x64x400x64xf32, #tpu.memory_space<hbm>> -> memref<1x1x400x64xf32, #tpu.memory_space<hbm>>
    %dma_wait3A_164 = tpu.memref_squeeze %dma_wait3A_163 : memref<1x1x400x64xf32, #tpu.memory_space<hbm>> -> memref<400x64xf32, #tpu.memory_space<hbm>>
    %dma_wait3A_165 = tpu.memref_slice %arg10[%dma_wait3A_156] : memref<3x!tpu.dma_semaphore, #tpu.memory_space<semaphore_mem>> -> memref<1x!tpu.dma_semaphore, #tpu.memory_space<semaphore_mem>>
    %dma_wait3A_166 = tpu.memref_squeeze %dma_wait3A_165 : memref<1x!tpu.dma_semaphore, #tpu.memory_space<semaphore_mem>> -> memref<!tpu.dma_semaphore, #tpu.memory_space<semaphore_mem>>
    %dma_wait3A_167 = arith.constant 0 : i32
    %dma_wait3A_168 = arith.constant 0 : i32
    %dma_wait3A_169 = tpu.memref_slice %arg5[%add3A, %dma_wait3A_155, %dma_wait3A_167, %dma_wait3A_168] : memref<32x64x400x64xf32, #tpu.memory_space<hbm>> -> memref<1x1x400x64xf32, #tpu.memory_space<hbm>>
    %dma_wait3A_170 = tpu.memref_squeeze %dma_wait3A_169 : memref<1x1x400x64xf32, #tpu.memory_space<hbm>> -> memref<400x64xf32, #tpu.memory_space<hbm>>
    %dma_wait3A_171 = arith.constant 0 : i32
    %dma_wait3A_172 = arith.constant 0 : i32
    %dma_wait3A_173 = tpu.memref_slice %arg8[%dma_wait3A_154, %dma_wait3A_171, %dma_wait3A_172] : memref<3x400x64xf32, #tpu.memory_space<vmem>> -> memref<1x400x64xf32, #tpu.memory_space<vmem>>
    %dma_wait3A_174 = tpu.memref_squeeze %dma_wait3A_173 : memref<1x400x64xf32, #tpu.memory_space<vmem>> -> memref<400x64xf32, #tpu.memory_space<vmem>>
    tpu.wait_dma2 semaphore(%dma_wait3A_166 : memref<!tpu.dma_semaphore, #tpu.memory_space<semaphore_mem>>) src(%dma_wait3A_174 : memref<400x64xf32, #tpu.memory_space<vmem>>) dst(%dma_wait3A_170 : memref<400x64xf32, #tpu.memory_space<hbm>>)
    %dma_wait3A_175 = arith.constant 0 : i32
    %dma_wait3A_176 = arith.constant 63 : i32
    %dma_wait3A_177 = arith.constant 0 : i32
    %dma_wait3A_178 = arith.constant 0 : i32
    %dma_wait3A_179 = arith.constant 0 : i32
    %dma_wait3A_180 = tpu.memref_slice %arg8[%dma_wait3A_175, %dma_wait3A_178, %dma_wait3A_179] : memref<3x400x64xf32, #tpu.memory_space<vmem>> -> memref<1x400x64xf32, #tpu.memory_space<vmem>>
    %dma_wait3A_181 = tpu.memref_squeeze %dma_wait3A_180 : memref<1x400x64xf32, #tpu.memory_space<vmem>> -> memref<400x64xf32, #tpu.memory_space<vmem>>
    %dma_wait3A_182 = arith.constant 0 : i32
    %dma_wait3A_183 = arith.constant 0 : i32
    %dma_wait3A_184 = tpu.memref_slice %arg5[%add3A, %dma_wait3A_176, %dma_wait3A_182, %dma_wait3A_183] : memref<32x64x400x64xf32, #tpu.memory_space<hbm>> -> memref<1x1x400x64xf32, #tpu.memory_space<hbm>>
    %dma_wait3A_185 = tpu.memref_squeeze %dma_wait3A_184 : memref<1x1x400x64xf32, #tpu.memory_space<hbm>> -> memref<400x64xf32, #tpu.memory_space<hbm>>
    %dma_wait3A_186 = tpu.memref_slice %arg10[%dma_wait3A_177] : memref<3x!tpu.dma_semaphore, #tpu.memory_space<semaphore_mem>> -> memref<1x!tpu.dma_semaphore, #tpu.memory_space<semaphore_mem>>
    %dma_wait3A_187 = tpu.memref_squeeze %dma_wait3A_186 : memref<1x!tpu.dma_semaphore, #tpu.memory_space<semaphore_mem>> -> memref<!tpu.dma_semaphore, #tpu.memory_space<semaphore_mem>>
    %dma_wait3A_188 = arith.constant 0 : i32
    %dma_wait3A_189 = arith.constant 0 : i32
    %dma_wait3A_190 = tpu.memref_slice %arg5[%add3A, %dma_wait3A_176, %dma_wait3A_188, %dma_wait3A_189] : memref<32x64x400x64xf32, #tpu.memory_space<hbm>> -> memref<1x1x400x64xf32, #tpu.memory_space<hbm>>
    %dma_wait3A_191 = tpu.memref_squeeze %dma_wait3A_190 : memref<1x1x400x64xf32, #tpu.memory_space<hbm>> -> memref<400x64xf32, #tpu.memory_space<hbm>>
    %dma_wait3A_192 = arith.constant 0 : i32
    %dma_wait3A_193 = arith.constant 0 : i32
    %dma_wait3A_194 = tpu.memref_slice %arg8[%dma_wait3A_175, %dma_wait3A_192, %dma_wait3A_193] : memref<3x400x64xf32, #tpu.memory_space<vmem>> -> memref<1x400x64xf32, #tpu.memory_space<vmem>>
    %dma_wait3A_195 = tpu.memref_squeeze %dma_wait3A_194 : memref<1x400x64xf32, #tpu.memory_space<vmem>> -> memref<400x64xf32, #tpu.memory_space<vmem>>
    tpu.wait_dma2 semaphore(%dma_wait3A_187 : memref<!tpu.dma_semaphore, #tpu.memory_space<semaphore_mem>>) src(%dma_wait3A_195 : memref<400x64xf32, #tpu.memory_space<vmem>>) dst(%dma_wait3A_191 : memref<400x64xf32, #tpu.memory_space<hbm>>)
    return
  }
}

</mosaic_0001>

<sc_bundles>
// kernel: kernel.3.cloned.1.call-start
scs
__scs_entry_jumppad:
0x0: {  	(pc) =	sbr.rel $0x88, $3  }
0x1: {  	(tag) =	ssettag $0x0;
	lr =	simm.s32 $0x1  }
0x2: {  	[smem:$0x3F9E] =	sst lr;
	_ =	strace $0xD0000000  }
0x3: {  	_ = 	snop  }
0x4: {  	_ = 	snop  }
0x5: {  	_ = 	snop  }
0x6: {  	_ = 	snop  }
0x7: {  	_ = 	snop  }
__scs_overlays_trampoline_lowered:
0x8: {  	[smem:$0x3FAD] =	sst s0  }
0x9: {  	[smem:$0x3FAE] =	sst s1  }
0xa: {  	[smem:$0x3FAF] =	sst s2  }
0xb: {  	[smem:$0x3FB0] =	sst s3  }
0xc: {  	[smem:$0x3FB1] =	sst s4  }
0xd: {  	[smem:$0x3FB2] =	sst s5  }
0xe: {  	[smem:$0x3FB3] =	sst s6  }
0xf: {  	[smem:$0x3FB4] =	sst s7  }
0x10: {  	[smem:$0x3FB5] =	sst s8  }
0x11: {  	[smem:$0x3FB6] =	sst s9;
	s0 =	simm.s32 @!p0 $0x0  }
0x12: {  	s1 =	sld [smem:$0x3F9C];
	s0 =	simm.s32 @p0 $0x1  }
0x13: {  	[smem:$0x3FB7] =	sst s0;
	s0 =	simm.s32 @!p1 $0x0  }
0x14: {  	s2 =	sld [smem:$0x3F9B];
	s0 =	simm.s32 @p1 $0x1  }
0x15: {  	[smem:$0x3FB8] =	sst s0;
	s0 =	simm.s32 @!p2 $0x0  }
0x16: {  	s3 =	sld [smem:$0x3FDB];
	s0 =	simm.s32 @p2 $0x1  }
0x17: {  	s4 =	simm.s32 $0x1BF5;
	[smem:$0x3FBA] =	sst s0  }
0x18: {  	s0 =	sld [smem:$0x3F9D];
	_ =	swait.ge [sflag:s4], $0x0  }
0x19: {  	s7 =	sld [smem:$0x3F9E]  }
0x1a: {  	s8 =	sadd.s32 $0xFFFFE003, lr  }
0x1b: {  	s9 =	sadd.s32 $0xFFFFFEF7, lr;
	s5 =	simm.s32 $0xFFFFFFFF;
	p2 =	slt.u32 s8, $0xFFFFF086  }
0x1c: {  	p1 =	slt.u32 s9, $0xF7A;
	s5 =	simm.s32 @!p2 $0x0  }
0x1d: {  	s5 =	simm.s32 @p1 $0x1;
	p0 =	seq.s32 s7, s2  }
0x1e: {  	s7 =	smul.u32 @!p0 $0xF7A, s2;
	p2 =	seq.s32 @!p0 s5, $0x0  }
0x1f: {  	s9 =	smul.u32 $0xF7A, s1;
	s8 =	simm.s32 @!p0 $0x1BF5;
	p2 =	por !p2, p0  }
0x20: {  	[sflag:s8] =	ssyncset.s32 @!p0 $0xFFFFF086;
	s6 =	sadd.s32 @!p0 s3, s7;
	s7 =	simm.s32 @!p0 $0x108  }
0x21: {  	s3 =	sadd.s32 s3, s9;
	s6 =	sadd.s32 @!p0 $0x88, s6;
	s7 =	simm.s32 @p2 $0x1082  }
0x22: {  	[simem:s7], [sflag:s8] =	dma.local @!p0 [hbm:s6], $0xF7A  }
0x23: {  	s9 =	sor.u32 $0xD0000000, s2;
	s6 =	simm.s32 $0x108;
	_ =	swait.ge @!p0 [sflag:s8], $0x0  }
0x24: {  	s3 =	sadd.s32 $0x88, s3;
	s6 =	simm.s32 @!p1 $0x1082;
	[sflag:s4] =	ssyncset.s32 $0xFFFFF086  }
0x25: {  	[simem:s6], [sflag:s4] =	dma.local [hbm:s3], $0xF7A  }
0x26: {  	[smem:$0x3F9E] =	sst s1;
	(tag) =	ssettag s2;
	_ =	strace s9  }
0x27: {  	s1 =	sld [smem:$0x3FAE]  }
0x28: {  	s2 =	sld [smem:$0x3FAF]  }
0x29: {  	s4 =	sld [smem:$0x3FB1]  }
0x2a: {  	p0 =	seq.s32 s5, $0x0;
	s5 =	sld [smem:$0x3FB2]  }
0x2b: {  	s6 =	sld [smem:$0x3FB3]  }
0x2c: {  	s7 =	sld [smem:$0x3FB4]  }
0x2d: {  	s3 =	simm.s32 $0x108;
	s8 =	sld [smem:$0x3FB5]  }
0x2e: {  	s3 =	simm.s32 @!p0 $0x1082;
	s9 =	sld [smem:$0x3FB6]  }
0x2f: {  	lr =	sadd.s32 s0, s3;
	s0 =	sld [smem:$0x3FAD]  }
0x30: {  	s3 =	sld [smem:$0x3FB0]  }
0x31: {  	[smem:$0x3FB9] =	sst s10  }
0x32: {  	s10 =	sld [smem:$0x3FB7];
	_ =	sdelay $0x3  }
0x33: {  	p0 =	seq.s32 s10, $0x1;
	s10 =	sld [smem:$0x3FB9];
	_ =	sdelay $0x3  }
0x34: {  	[smem:$0x3FB9] =	sst s10  }
0x35: {  	s10 =	sld [smem:$0x3FB8];
	_ =	sdelay $0x3  }
0x36: {  	p1 =	seq.s32 s10, $0x1;
	s10 =	sld [smem:$0x3FB9];
	_ =	sdelay $0x3  }
0x37: {  	[smem:$0x3FB9] =	sst s10  }
0x38: {  	s10 =	sld [smem:$0x3FBA]  }
0x39: {  	_ = 	snop;
	(pc) =	sbr.ind lr, $3  }
0x3a: {  	_ = 	snop  }
0x3b: {  	_ = 	snop  }
0x3c: {  	p2 =	seq.s32 s10, $0x1;
	s10 =	sld [smem:$0x3FB9]  }
0x3d: {  	_ =	shalt  }
0x3e: {  	_ =	shalt  }
0x3f: {  	_ =	shalt  }
0x40: {  	_ =	shalt  }
0x41: {  	_ =	shalt  }
0x42: {  	_ =	shalt  }
0x43: {  	_ =	shalt  }
0x44: {  	_ =	shalt  }
0x45: {  	_ =	shalt  }
0x46: {  	_ =	shalt  }
0x47: {  	_ =	shalt  }
0x48: {  	_ =	shalt  }
0x49: {  	_ =	shalt  }
0x4a: {  	_ =	shalt  }
0x4b: {  	_ =	shalt  }
0x4c: {  	_ =	shalt  }
0x4d: {  	_ =	shalt  }
0x4e: {  	_ =	shalt  }
0x4f: {  	_ =	shalt  }
0x50: {  	_ =	shalt  }
0x51: {  	_ =	shalt  }
0x52: {  	_ =	shalt  }
0x53: {  	_ =	shalt  }
0x54: {  	_ =	shalt  }
0x55: {  	_ =	shalt  }
0x56: {  	_ =	shalt  }
0x57: {  	_ =	shalt  }
0x58: {  	_ =	shalt  }
0x59: {  	_ =	shalt  }
0x5a: {  	_ =	shalt  }
0x5b: {  	_ =	shalt  }
0x5c: {  	_ =	shalt  }
0x5d: {  	_ =	shalt  }
0x5e: {  	_ =	shalt  }
0x5f: {  	_ =	shalt  }
0x60: {  	_ =	shalt  }
0x61: {  	_ =	shalt  }
0x62: {  	_ =	shalt  }
0x63: {  	_ =	shalt  }
0x64: {  	_ =	shalt  }
0x65: {  	_ =	shalt  }
0x66: {  	_ =	shalt  }
0x67: {  	_ =	shalt  }
0x68: {  	_ =	shalt  }
0x69: {  	_ =	shalt  }
0x6a: {  	_ =	shalt  }
0x6b: {  	_ =	shalt  }
0x6c: {  	_ =	shalt  }
0x6d: {  	_ =	shalt  }
0x6e: {  	_ =	shalt  }
0x6f: {  	_ =	shalt  }
0x70: {  	_ =	shalt  }
0x71: {  	_ =	shalt  }
0x72: {  	_ =	shalt  }
0x73: {  	_ =	shalt  }
0x74: {  	_ =	shalt  }
0x75: {  	_ =	shalt  }
0x76: {  	_ =	shalt  }
0x77: {  	_ =	shalt  }
0x78: {  	_ =	shalt  }
0x79: {  	_ =	shalt  }
0x7a: {  	_ =	shalt  }
0x7b: {  	_ =	shalt  }
0x7c: {  	_ =	shalt  }
0x7d: {  	_ =	shalt  }
0x7e: {  	_ =	shalt  }
0x7f: {  	_ =	shalt  }
0x80: {  	_ =	shalt  }
0x81: {  	_ =	shalt  }
0x82: {  	_ =	shalt  }
0x83: {  	_ =	shalt  }
0x84: {  	_ =	shalt  }
0x85: {  	_ =	shalt  }
0x86: {  	_ =	shalt  }
0x87: {  	_ =	shalt  }
.Lfunc_end0:
.L_simem_size_0:
called_computation.1_lowered:
.L_overlay_start_0:
0x88: {  	s2 =	sld [smem:$0x3FD9]  }
0x89: {  	s3 =	sld [smem:$0x3FFE];
	_ =	sdelay $0x1  }
0x8a: {  	s1 =	srdreg.scid  }
0x8b: {  	s0 =	sand.u32 $0x1, s1  }
0x8c: {  	s17 =	sshll.u32 s0, $0xA;
	s2 =	sadd.s32 s3, s2  }
0x8d: {  	s2 =	sadd.s32 s2, s17  }
0x8e: {  	[smem:$0x3FC5] =	sst s2  }
0x8f: {  	_ = 	snop  }
0x90: {  	s2 =	sld [smem:$0x3FD0];
	(tm) =	ssettm $0x1  }
0x91: {  	s18 =	sld [smem:$0x3FFB];
	_ =	sdelay $0x3  }
0x92: {  	_ =	strace s18  }
0x93: {  	s3 =	sld [smem:$0x3FFC];
	_ =	sdelay $0x3  }
0x94: {  	_ =	strace s3  }
0x95: {  	s3 =	sld [smem:$0x3FFD];
	_ =	sdelay $0x3  }
0x96: {  	_ =	strace s3  }
0x97: {  	_ =	strace $0x8FFFFFFF  }
0x98: {  	s19 =	sld [smem:$0x3FDB];
	_ =	sdelay $0x1  }
0x99: {  	s4 =	simm.s32 $_scs_section_size  }
0x9a: {  	s5 =	simm.s32 $_size__tile_overlayer_lowered;
	s6 =	simm.s32 $_tile_overlayer_lowered  }
0x9b: {  	s22 =	simm.s32 $0x1BFF;
	s21 =	sshll.u32 s6, $0x1;
	s3 =	sadd.s32 s4, s19  }
0x9c: {  	s7 =	simm.s32 $0x0;
	s20 =	sshll.u32 s5, $0x1;
	s5 =	sadd.s32 s21, s3  }
0x9d: {  	[timem:s7], [sflag:s22] =	dma.local [hbm:s5], s20  }
0x9e: {  	_ =	swait.ge [sflag:s22], s20  }
0x9f: {  	s4 =	ssub.s32 $0x0, s20;
	[sflag:s22] =	ssyncset.done $0x0  }
0xa0: {  	[sflag:s22] =	ssyncadd.s32 s4;
	_ =	sdelay $0x1  }
0xa1: {  	s23 =	simm.s32 $0x1B8B  }
0xa2: {  	_ =	swait.ge [sflag:s23], $0x1  }
0xa3: {  	[sflag:s23] =	ssyncset.done $0x0  }
0xa4: {  	s25 =	simm.s32 $0x1B8E;
	s24 =	sld [smem:$0x3FFE];
	[sflag:s23] =	ssyncadd.s32 $0xFFFFFFFF  }
0xa5: {  	s26 =	simm.s32 $execute0_lowered;
	[smem:$0x3FD2] =	sst s25  }
0xa6: {  	s5 =	sshll.u32 s26, $0x1;
	_ =	strace $0x80000046;
	[dreg:$0x1] =	wrdreg $0xFFFFFFFF  }
0xa7: {  	s28 =	simm.s32 $_size_execute0_lowered;
	s3 =	sadd.s32 s3, s5;
	[dreg:$0x0] =	wrdreg $0x0  }
0xa8: {  	s5 =	sshll.u32 s28, $0x1;
	[dreg:$0x2] =	wrdreg s3  }
0xa9: {  	[dreg:$0x3] =	wrdreg s5  }
0xaa: {  	[dreg:$0x4] =	wrdreg $0xC0  }
0xab: {  	_ =	task [dreg:s7], $0x5FFFF  }
0xac: {  	[dreg:$0x1] =	wrdreg $0xFFFFFFFF  }
0xad: {  	[dreg:$0x0] =	wrdreg $0x60  }
0xae: {  	[dreg:$0x2] =	wrdreg s24  }
0xaf: {  	[dreg:$0x3] =	wrdreg s2  }
0xb0: {  	[dreg:$0x4] =	wrdreg $0x9  }
0xb1: {  	_ =	task.clear_ibuf [dreg:s7], $0x5FFFF;
	_ =	strace $0x90000046  }
0xb2: {  	s29 =	simm.s32 $0x9;
	_ =	strace $0x80000048  }
0xb3: {  	_ =	swait.ge [sflag:s29], $0x1  }
0xb4: {  	[sflag:s29] =	ssyncadd.s32 $0xFFFFFFFF  }
0xb5: {  	_ =	strace $0x90000048  }
0xb6: {  	_ =	sfence  }
0xb7: {  	s30 =	sld [smem:$0x0];
	_ =	sdelay $0x2  }
0xb8: {  	s31 =	sshll.u32 s1, $0xD;
	s1 =	sshrl.u32 s1, $0x2  }
0xb9: {  	s3 =	sand.u32 $0x4000, s31;
	s1 =	sadd.s32 s1, s30  }
0xba: {  	s0 =	sor.u32 s3, s0;
	s1 =	sshll.u32 s1, $0x11  }
0xbb: {  	s0 =	sor.u32 s1, s0  }
0xbc: {  	s0 =	sadd.s32 $0x8F2B, s0  }
0xbd: {  	[sflag:s0] =	ssyncadd.remote.s32 $0x1  }
0xbe: {  	_ =	sfence.sel $0xFFFF  }
0xbf: {  	[dreg:$0x0] =	wrdreg $0xFFFFFFFF;
	(pc) =	sbr.abs _section_cstart, $3  }
0xc0: {  	[dreg:$0x1] =	wrdreg $0xFFFFFFFF  }
0xc1: {  	_ =	task.clear_ibuf [dreg:s7], $0x2FFFF;
	_ =	strace $0x9FFFFFFF  }
0xc2: {  	(tm) =	ssettm $0x7FFFFFFF  }
0xc3: {  	_ =	shalt  }
tec
execute0_lowered:
.L_overlay_start_1:
0x0: {  	(tag) =	ssettag $0x1  }
0x1: {  	s0 =	srdreg.scid;
	s2 =	stileid.u32  }
0x2: {  	s1 =	rddreg [dreg:$0x0];
	s9 =	simm.s32 $0x7;
	s11 =	simm.s32 $0x64  }
0x3: {  	s17 =	simm.s32 $0xE500;
	s18 =	simm.s32 $0x1A0;
	s19 =	simm.s32 $0xFE00  }
0x4: {  	s20 =	simm.s32 $0x208;
	s21 =	simm.s32 $0x11700;
	s22 =	simm.s32 $0x270  }
0x5: {  	s23 =	simm.s32 $0x13000;
	s24 =	simm.s32 $0x2D8;
	s25 =	simm.s32 $0x14900  }
0x6: {  	s26 =	simm.s32 $0x5;
	s28 =	simm.s32 $0x6;
	s29 =	simm.s32 $0x4  }
0x7: {  	s30 =	simm.s32 $0x0;
	s0 =	sand.u32 $0x1, s0;
	s3 =	sshll.u32 s2, $0x1  }
0x8: {  	s2 =	rddreg [dreg:$0x1];
	s5 =	sadd.s32 $0x1AE00, s1;
	s7 =	sor.u32 s0, s3  }
0x9: {  	s3 =	simm.s32 $0x0;
	s0 =	ssub.s32 $0x2, s0;
	s4 =	smul.u32 $0xD00, s7  }
0xa: {  	[smem:$0x7FF] =	sst s3;
	s8 =	sshrl.u32 s0, $0x1;
	s7 =	smul.u32 $0x190000, s7  }
0xb: {  	_ =	strace $0x80000047;
	s0 =	ssub.s32 s0, s8;
	s6 =	sadd.s32 s4, s1  }
0xc: {  	s4 =	sadd.s32 $0xF43200, s1;
	s8 =	smax.u32 s0, $0x1;
	s6 =	sadd.s32 $0xE00, s6  }
.LBB2_1:
0xd: {  	[tilespmem:s3], [sflag:$0x7] =	stream.linear.gather [hbm4b:s6+s3], $0x6800, $0x38;
	[tilespmem:$0x1C600] =	vst v63  }
0xe: {  	_ =	swait.ge [sflag:s9], $0x6800  }
0xf: {  	[sflag:s9] =	ssyncset.done $0x0  }
0x10: {  	s0 =	simm.s32 $0x6800;
	[sflag:s9] =	ssyncadd.s32 $0xFFFF9800  }
0x11: {  	[tilespmem:s0], [sflag:$0x7] =	stream.linear.gather [hbm4b:s5+s3], $0x3200, $0x38;
	[tilespmem:$0x1C600] =	vst v63  }
0x12: {  	_ =	swait.ge [sflag:s9], $0x3200  }
0x13: {  	[sflag:s9] =	ssyncset.done $0x0  }
0x14: {  	s31 =	simm.s32 $0x9A00;
	[sflag:s9] =	ssyncadd.s32 $0xFFFFCE00  }
0x15: {  	[tilespmem:s31], [sflag:$0x1] =	stream.indirect.gather [hbm4b:s4+s11], $0x40, s3, s11, $0xb8;
	[tilespmem:$0x1C600] =	vst v63  }
0x16: {  	s13 =	simm.s32 $0x68;
	s1 =	simm.s32 $0xB300  }
0x17: {  	[tilespmem:s1], [sflag:$0x1] =	stream.indirect.gather [hbm4b:s4+s11], $0x40, s13, s11, $0xb8;
	[tilespmem:$0x1C600] =	vst v63  }
0x18: {  	s14 =	simm.s32 $0xD0;
	s15 =	simm.s32 $0xCC00  }
0x19: {  	[tilespmem:s15], [sflag:$0x1] =	stream.indirect.gather [hbm4b:s4+s11], $0x40, s14, s11, $0xb8;
	[tilespmem:$0x1C600] =	vst v63  }
0x1a: {  	s16 =	simm.s32 $0x138  }
0x1b: {  	[tilespmem:s17], [sflag:$0x1] =	stream.indirect.gather [hbm4b:s4+s11], $0x40, s16, s11, $0xb8;
	[tilespmem:$0x1C600] =	vst v63  }
0x1c: {  	_ = 	snop  }
0x1d: {  	[tilespmem:s19], [sflag:$0x2] =	stream.indirect.gather [hbm4b:s4+s11], $0x40, s18, s11, $0xb8;
	[tilespmem:$0x1C600] =	vst v63  }
0x1e: {  	_ = 	snop  }
0x1f: {  	[tilespmem:s21], [sflag:$0x2] =	stream.indirect.gather [hbm4b:s4+s11], $0x40, s20, s11, $0xb8;
	[tilespmem:$0x1C600] =	vst v63  }
0x20: {  	_ = 	snop  }
0x21: {  	[tilespmem:s23], [sflag:$0x2] =	stream.indirect.gather [hbm4b:s4+s11], $0x40, s22, s11, $0xb8;
	[tilespmem:$0x1C600] =	vst v63  }
0x22: {  	s1 =	simm.s32 $0x0  }
0x23: {  	[tilespmem:s25], [sflag:$0x2] =	stream.indirect.gather [hbm4b:s4+s11], $0x40, s24, s11, $0xb8;
	[tilespmem:$0x1C600] =	vst v63  }
.LBB2_2:
0x24: {  	s0 =	smulhi.u32 $0xAAAAAAAB, s1  }
0x25: {  	s10 =	smul.u32 $0xAB, s1;
	_ =	sdelay $0x1  }
0x26: {  	s0 =	sshrl.u32 s0, $0x1;
	s10 =	sshrl.u32 s10, $0x9  }
0x27: {  	s0 =	smul.u32 $0xFFFB5000, s0;
	s10 =	sand.u32 $0x7F, s10  }
0x28: {  	s10 =	smul.u32 $0x3, s10  }
0x29: {  	s0 =	sshra.s32 s0, $0x2  }
0x2a: {  	s12 =	sadd.s32 s0, s31;
	s14 =	ssub.s32 s1, s10  }
0x2b: {  	s0 =	sand.u32 $0xFF, s14;
	v0 =	vmov s12  }
0x2c: {  	s15 =	sadd.s32 $0x1, s0  }
0x2d: {  	_ =	swait.ge [sflag:s15], $0x6400  }
0x2e: {  	[sflag:s15] =	ssyncset.done $0x0  }
0x2f: {  	s10 =	simm.s32 $0x0;
	[sflag:s15] =	ssyncadd.s32 $0xFFFF9C00  }
0x30: {  	v1 =	vld.idx.msk [tilespmem:v0+s10+$0x1C0 ss:$0x1], $0xffff  }
0x31: {  	v2 =	vld [tilespmem:s10+$0x69C0]  }
0x32: {  	v3 =	vld.idx.msk [tilespmem:v0+s10+$0x0 ss:$0x1], $0xffff  }
0x33: {  	v4 =	vld.idx.msk [tilespmem:v0+s10+$0x40 ss:$0x1], $0xffff  }
0x34: {  	v5 =	vld.idx.msk [tilespmem:v0+s10+$0x80 ss:$0x1], $0xffff  }
0x35: {  	v6 =	vld.idx.msk [tilespmem:v0+s10+$0xC0 ss:$0x1], $0xffff  }
0x36: {  	v7 =	vld.idx.msk [tilespmem:v0+s10+$0x100 ss:$0x1], $0xffff  }
0x37: {  	v10 =	vld [tilespmem:s10+$0x6800]  }
0x38: {  	v8 =	vld.idx.msk [tilespmem:v0+s10+$0x180 ss:$0x1], $0xffff;
	v1 =	vadd.f32 v2, v1  }
0x39: {  	v12 =	vld [tilespmem:s10+$0x6880]  }
0x3a: {  	v14 =	vld [tilespmem:s10+$0x6900];
	[tilespmem:v0+s10+$0x1C0 ss:$0x1] =	vst.idx.msk $0xffff, v1  }
0x3b: {  	v1 =	vld.idx.msk [tilespmem:v0+s10+$0x1D0 ss:$0x1], $0xffff  }
0x3c: {  	v3 =	vadd.f32 v10, v3;
	v9 =	vld [tilespmem:s10+$0x69D0]  }
0x3d: {  	v10 =	vld [tilespmem:s10+$0x6980]  }
0x3e: {  	v11 =	vld [tilespmem:s10+$0x6840];
	[tilespmem:v0+s10+$0x0 ss:$0x1] =	vst.idx.msk $0xffff, v3;
	v3 =	vadd.f32 v12, v5  }
0x3f: {  	v13 =	vld [tilespmem:s10+$0x68C0]  }
0x40: {  	v2 =	vld.idx.msk [tilespmem:v0+s10+$0x140 ss:$0x1], $0xffff;
	[tilespmem:v0+s10+$0x80 ss:$0x1] =	vst.idx.msk $0xffff, v3;
	v3 =	vadd.f32 v14, v7  }
0x41: {  	v48 =	vld [tilespmem:s10+$0x6890];
	v1 =	vadd.f32 v9, v1  }
0x42: {  	[tilespmem:v0+s10+$0x100 ss:$0x1] =	vst.idx.msk $0xffff, v3;
	v3 =	vadd.f32 v10, v8;
	v10 =	vld [tilespmem:s10+$0x6810]  }
0x43: {  	v9 =	vld [tilespmem:s10+$0x6940];
	[tilespmem:v0+s10+$0x1D0 ss:$0x1] =	vst.idx.msk $0xffff, v1  }
0x44: {  	v1 =	vadd.f32 v11, v4;
	v4 =	vld.idx.msk [tilespmem:v0+s10+$0x1E0 ss:$0x1], $0xffff  }
0x45: {  	v5 =	vld [tilespmem:s10+$0x69E0]  }
0x46: {  	v50 =	vld [tilespmem:s10+$0x6910]  }
0x47: {  	[tilespmem:v0+s10+$0x40 ss:$0x1] =	vst.idx.msk $0xffff, v1;
	v1 =	vadd.f32 v13, v6;
	v6 =	vld.idx.msk [tilespmem:v0+s10+$0x10 ss:$0x1], $0xffff  }
0x48: {  	v7 =	vld.idx.msk [tilespmem:v0+s10+$0x50 ss:$0x1], $0xffff  }
0x49: {  	v11 =	vld [tilespmem:s10+$0x6850];
	[tilespmem:v0+s10+$0xC0 ss:$0x1] =	vst.idx.msk $0xffff, v1;
	v1 =	vadd.f32 v9, v2  }
0x4a: {  	v2 =	vld.idx.msk [tilespmem:v0+s10+$0x90 ss:$0x1], $0xffff;
	v4 =	vadd.f32 v5, v4  }
0x4b: {  	v8 =	vld.idx.msk [tilespmem:v0+s10+$0xD0 ss:$0x1], $0xffff;
	[tilespmem:v0+s10+$0x140 ss:$0x1] =	vst.idx.msk $0xffff, v1  }
0x4c: {  	v1 =	vld.idx.msk [tilespmem:v0+s10+$0x110 ss:$0x1], $0xffff;
	[tilespmem:v0+s10+$0x1E0 ss:$0x1] =	vst.idx.msk $0xffff, v4  }
0x4d: {  	v4 =	vld.idx.msk [tilespmem:v0+s10+$0x1F0 ss:$0x1], $0xffff  }
0x4e: {  	v9 =	vld [tilespmem:s10+$0x69F0]  }
0x4f: {  	[tilespmem:v0+s10+$0x180 ss:$0x1] =	vst.idx.msk $0xffff, v3;
	v49 =	vld [tilespmem:s10+$0x68D0]  }
0x50: {  	v5 =	vld.idx.msk [tilespmem:v0+s10+$0x190 ss:$0x1], $0xffff  }
0x51: {  	v3 =	vld.idx.msk [tilespmem:v0+s10+$0x150 ss:$0x1], $0xffff;
	v1 =	vadd.f32 v50, v1  }
0x52: {  	v6 =	vadd.f32 v10, v6;
	v10 =	vld [tilespmem:s10+$0x6990];
	v2 =	vadd.f32 v48, v2  }
0x53: {  	[tilespmem:v0+s10+$0x110 ss:$0x1] =	vst.idx.msk $0xffff, v1;
	v4 =	vadd.f32 v9, v4;
	v9 =	vld [tilespmem:s10+$0x6950]  }
0x54: {  	[tilespmem:v0+s10+$0x90 ss:$0x1] =	vst.idx.msk $0xffff, v2;
	v52 =	vld [tilespmem:s10+$0x6920]  }
0x55: {  	[tilespmem:v0+s10+$0x1F0 ss:$0x1] =	vst.idx.msk $0xffff, v4;
	v4 =	vadd.f32 v11, v7;
	v11 =	vld [tilespmem:s10+$0x68A0]  }
0x56: {  	v7 =	vld.idx.msk [tilespmem:v0+s10+$0x33C0 ss:$0x1], $0xffff  }
0x57: {  	[tilespmem:v0+s10+$0x10 ss:$0x1] =	vst.idx.msk $0xffff, v6;
	v6 =	vld [tilespmem:s10+$0x69C0]  }
0x58: {  	[tilespmem:v0+s10+$0x50 ss:$0x1] =	vst.idx.msk $0xffff, v4;
	v4 =	vadd.f32 v49, v8;
	v8 =	vld.idx.msk [tilespmem:v0+s10+$0x20 ss:$0x1], $0xffff  }
0x59: {  	v2 =	vld.idx.msk [tilespmem:v0+s10+$0x60 ss:$0x1], $0xffff  }
0x5a: {  	v3 =	vadd.f32 v9, v3;
	v9 =	vld [tilespmem:s10+$0x6820]  }
0x5b: {  	v1 =	vadd.f32 v10, v5;
	v10 =	vld [tilespmem:s10+$0x6860]  }
0x5c: {  	[tilespmem:v0+s10+$0xD0 ss:$0x1] =	vst.idx.msk $0xffff, v4;
	v4 =	vld.idx.msk [tilespmem:v0+s10+$0xA0 ss:$0x1], $0xffff  }
0x5d: {  	v5 =	vld.idx.msk [tilespmem:v0+s10+$0xE0 ss:$0x1], $0xffff  }
0x5e: {  	[tilespmem:v0+s10+$0x150 ss:$0x1] =	vst.idx.msk $0xffff, v3;
	v3 =	vld.idx.msk [tilespmem:v0+s10+$0x120 ss:$0x1], $0xffff  }
0x5f: {  	v51 =	vld [tilespmem:s10+$0x68E0]  }
0x60: {  	[tilespmem:v0+s10+$0x190 ss:$0x1] =	vst.idx.msk $0xffff, v1;
	v1 =	vld.idx.msk [tilespmem:v0+s10+$0x160 ss:$0x1], $0xffff  }
0x61: {  	v6 =	vadd.f32 v6, v7;
	v7 =	vld.idx.msk [tilespmem:v0+s10+$0x1A0 ss:$0x1], $0xffff  }
0x62: {  	v8 =	vadd.f32 v9, v8;
	v9 =	vld [tilespmem:s10+$0x6960]  }
0x63: {  	[tilespmem:v0+s10+$0x33C0 ss:$0x1] =	vst.idx.msk $0xffff, v6;
	v2 =	vadd.f32 v10, v2;
	v10 =	vld [tilespmem:s10+$0x69A0]  }
0x64: {  	v6 =	vld.idx.msk [tilespmem:v0+s10+$0x33D0 ss:$0x1], $0xffff  }
0x65: {  	v53 =	vld [tilespmem:s10+$0x69D0];
	v4 =	vadd.f32 v11, v4;
	[tilespmem:v0+s10+$0x20 ss:$0x1] =	vst.idx.msk $0xffff, v8  }
0x66: {  	[tilespmem:v0+s10+$0x60 ss:$0x1] =	vst.idx.msk $0xffff, v2;
	v2 =	vadd.f32 v51, v5;
	v5 =	vld.idx.msk [tilespmem:v0+s10+$0x30 ss:$0x1], $0xffff  }
0x67: {  	[tilespmem:v0+s10+$0xA0 ss:$0x1] =	vst.idx.msk $0xffff, v4;
	v4 =	vld.idx.msk [tilespmem:v0+s10+$0x70 ss:$0x1], $0xffff  }
0x68: {  	v3 =	vadd.f32 v52, v3;
	[tilespmem:v0+s10+$0xE0 ss:$0x1] =	vst.idx.msk $0xffff, v2;
	v2 =	vld.idx.msk [tilespmem:v0+s10+$0xB0 ss:$0x1], $0xffff  }
0x69: {  	v11 =	vld [tilespmem:s10+$0x68B0]  }
0x6a: {  	[tilespmem:v0+s10+$0x120 ss:$0x1] =	vst.idx.msk $0xffff, v3;
	v3 =	vadd.f32 v10, v7;
	v7 =	vld.idx.msk [tilespmem:v0+s10+$0xF0 ss:$0x1], $0xffff  }
0x6b: {  	v1 =	vadd.f32 v9, v1;
	v9 =	vld [tilespmem:s10+$0x6830]  }
0x6c: {  	v10 =	vld [tilespmem:s10+$0x6870]  }
0x6d: {  	v54 =	vld [tilespmem:s10+$0x68F0]  }
0x6e: {  	v55 =	vld [tilespmem:s10+$0x6930]  }
0x6f: {  	[tilespmem:v0+s10+$0x160 ss:$0x1] =	vst.idx.msk $0xffff, v1;
	v1 =	vld.idx.msk [tilespmem:v0+s10+$0x130 ss:$0x1], $0xffff  }
0x70: {  	v6 =	vadd.f32 v53, v6;
	[tilespmem:v0+s10+$0x1A0 ss:$0x1] =	vst.idx.msk $0xffff, v3;
	v3 =	vld.idx.msk [tilespmem:v0+s10+$0x170 ss:$0x1], $0xffff  }
0x71: {  	v8 =	vld.idx.msk [tilespmem:v0+s10+$0x1B0 ss:$0x1], $0xffff  }
0x72: {  	[tilespmem:v0+s10+$0x33D0 ss:$0x1] =	vst.idx.msk $0xffff, v6;
	v6 =	vld [tilespmem:s10+$0x69B0]  }
0x73: {  	v2 =	vadd.f32 v11, v2;
	v58 =	vld [tilespmem:s10+$0x69E0]  }
0x74: {  	v5 =	vadd.f32 v9, v5;
	v9 =	vld [tilespmem:s10+$0x6970]  }
0x75: {  	v4 =	vadd.f32 v10, v4;
	v10 =	vld.idx.msk [tilespmem:v0+s10+$0x33E0 ss:$0x1], $0xffff;
	[tilespmem:v0+s10+$0xB0 ss:$0x1] =	vst.idx.msk $0xffff, v2  }
0x76: {  	[tilespmem:v0+s10+$0x30 ss:$0x1] =	vst.idx.msk $0xffff, v5;
	v2 =	vld.idx.msk [tilespmem:v0+s10+$0x3280 ss:$0x1], $0xffff  }
0x77: {  	[tilespmem:v0+s10+$0x70 ss:$0x1] =	vst.idx.msk $0xffff, v4;
	v4 =	vadd.f32 v54, v7;
	v11 =	vld [tilespmem:s10+$0x6880]  }
0x78: {  	v1 =	vadd.f32 v55, v1;
	v5 =	vld.idx.msk [tilespmem:v0+s10+$0x3200 ss:$0x1], $0xffff  }
0x79: {  	v7 =	vld.idx.msk [tilespmem:v0+s10+$0x3240 ss:$0x1], $0xffff;
	[tilespmem:v0+s10+$0xF0 ss:$0x1] =	vst.idx.msk $0xffff, v4  }
0x7a: {  	[tilespmem:v0+s10+$0x130 ss:$0x1] =	vst.idx.msk $0xffff, v1;
	v1 =	vadd.f32 v6, v8;
	v8 =	vld [tilespmem:s10+$0x6800]  }
0x7b: {  	v4 =	vld.idx.msk [tilespmem:v0+s10+$0x32C0 ss:$0x1], $0xffff  }
0x7c: {  	v6 =	vld.idx.msk [tilespmem:v0+s10+$0x3300 ss:$0x1], $0xffff  }
0x7d: {  	v3 =	vadd.f32 v9, v3;
	v9 =	vld [tilespmem:s10+$0x6840]  }
0x7e: {  	v56 =	vld [tilespmem:s10+$0x68C0]  }
0x7f: {  	v57 =	vld [tilespmem:s10+$0x6900];
	v10 =	vadd.f32 v58, v10;
	[tilespmem:v0+s10+$0x1B0 ss:$0x1] =	vst.idx.msk $0xffff, v1  }
0x80: {  	[tilespmem:v0+s10+$0x170 ss:$0x1] =	vst.idx.msk $0xffff, v3;
	v1 =	vld.idx.msk [tilespmem:v0+s10+$0x3380 ss:$0x1], $0xffff  }
0x81: {  	[tilespmem:v0+s10+$0x33E0 ss:$0x1] =	vst.idx.msk $0xffff, v10;
	v3 =	vld.idx.msk [tilespmem:v0+s10+$0x3340 ss:$0x1], $0xffff  }
0x82: {  	v10 =	vld.idx.msk [tilespmem:v0+s10+$0x33F0 ss:$0x1], $0xffff  }
0x83: {  	v2 =	vadd.f32 v11, v2;
	v63 =	vld [tilespmem:s10+$0x69F0]  }
0x84: {  	v5 =	vadd.f32 v8, v5;
	v8 =	vld [tilespmem:s10+$0x6940]  }
0x85: {  	[tilespmem:v0+s10+$0x3280 ss:$0x1] =	vst.idx.msk $0xffff, v2;
	v7 =	vadd.f32 v9, v7;
	v9 =	vld [tilespmem:s10+$0x6980]  }
0x86: {  	v4 =	vadd.f32 v56, v4;
	v2 =	vadd.f32 v57, v6;
	v6 =	vld.idx.msk [tilespmem:v0+s10+$0x3290 ss:$0x1], $0xffff;
	[tilespmem:v0+s10+$0x3200 ss:$0x1] =	vst.idx.msk $0xffff, v5  }
0x87: {  	v5 =	vld.idx.msk [tilespmem:v0+s10+$0x3210 ss:$0x1], $0xffff;
	[tilespmem:v0+s10+$0x3240 ss:$0x1] =	vst.idx.msk $0xffff, v7  }
0x88: {  	[tilespmem:v0+s10+$0x32C0 ss:$0x1] =	vst.idx.msk $0xffff, v4;
	v7 =	vld.idx.msk [tilespmem:v0+s10+$0x3250 ss:$0x1], $0xffff  }
0x89: {  	[tilespmem:v0+s10+$0x3300 ss:$0x1] =	vst.idx.msk $0xffff, v2;
	v4 =	vld.idx.msk [tilespmem:v0+s10+$0x32D0 ss:$0x1], $0xffff  }
0x8a: {  	v2 =	vld.idx.msk [tilespmem:v0+s10+$0x3310 ss:$0x1], $0xffff  }
0x8b: {  	v59 =	vld [tilespmem:s10+$0x68D0]  }
0x8c: {  	v60 =	vld [tilespmem:s10+$0x6910]  }
0x8d: {  	v3 =	vadd.f32 v8, v3;
	v8 =	vld [tilespmem:s10+$0x6810]  }
0x8e: {  	v1 =	vadd.f32 v9, v1;
	v9 =	vld [tilespmem:s10+$0x6850]  }
0x8f: {  	v11 =	vld [tilespmem:s10+$0x6890];
	[tilespmem:v0+s10+$0x3340 ss:$0x1] =	vst.idx.msk $0xffff, v3  }
0x90: {  	v3 =	vld.idx.msk [tilespmem:v0+s10+$0x3350 ss:$0x1], $0xffff;
	[tilespmem:v0+s10+$0x3380 ss:$0x1] =	vst.idx.msk $0xffff, v1  }
0x91: {  	v1 =	vld.idx.msk [tilespmem:v0+s10+$0x3390 ss:$0x1], $0xffff;
	v4 =	vadd.f32 v59, v4  }
0x92: {  	v2 =	vadd.f32 v60, v2;
	v5 =	vadd.f32 v8, v5;
	v8 =	vld [tilespmem:s10+$0x6950]  }
0x93: {  	v7 =	vadd.f32 v9, v7;
	v9 =	vld [tilespmem:s10+$0x6990];
	[tilespmem:v0+s10+$0x32D0 ss:$0x1] =	vst.idx.msk $0xffff, v4  }
0x94: {  	[tilespmem:v0+s10+$0x3310 ss:$0x1] =	vst.idx.msk $0xffff, v2;
	v4 =	vld.idx.msk [tilespmem:v0+s10+$0x32E0 ss:$0x1], $0xffff  }
0x95: {  	v2 =	vld.idx.msk [tilespmem:v0+s10+$0x3320 ss:$0x1], $0xffff  }
0x96: {  	[tilespmem:v0+s10+$0x3210 ss:$0x1] =	vst.idx.msk $0xffff, v5;
	v5 =	vadd.f32 v11, v6;
	v61 =	vld [tilespmem:s10+$0x68E0]  }
0x97: {  	v6 =	vld.idx.msk [tilespmem:v0+s10+$0x3220 ss:$0x1], $0xffff;
	[tilespmem:v0+s10+$0x3250 ss:$0x1] =	vst.idx.msk $0xffff, v7  }
0x98: {  	v7 =	vld.idx.msk [tilespmem:v0+s10+$0x3260 ss:$0x1], $0xffff;
	[tilespmem:v0+s10+$0x3290 ss:$0x1] =	vst.idx.msk $0xffff, v5  }
0x99: {  	v5 =	vld.idx.msk [tilespmem:v0+s10+$0x32A0 ss:$0x1], $0xffff  }
0x9a: {  	v3 =	vadd.f32 v8, v3;
	v8 =	vld [tilespmem:s10+$0x6820]  }
0x9b: {  	v11 =	vld [tilespmem:s10+$0x68A0]  }
0x9c: {  	v1 =	vadd.f32 v9, v1;
	v9 =	vld [tilespmem:s10+$0x6860]  }
0x9d: {  	v62 =	vld [tilespmem:s10+$0x6920];
	[tilespmem:v0+s10+$0x3350 ss:$0x1] =	vst.idx.msk $0xffff, v3  }
0x9e: {  	v3 =	vld.idx.msk [tilespmem:v0+s10+$0x3360 ss:$0x1], $0xffff;
	[tilespmem:v0+s10+$0x3390 ss:$0x1] =	vst.idx.msk $0xffff, v1  }
0x9f: {  	v4 =	vadd.f32 v61, v4;
	v1 =	vld.idx.msk [tilespmem:v0+s10+$0x33A0 ss:$0x1], $0xffff  }
0xa0: {  	v6 =	vadd.f32 v8, v6;
	v8 =	vld [tilespmem:s10+$0x6960]  }
0xa1: {  	[tilespmem:v0+s10+$0x32E0 ss:$0x1] =	vst.idx.msk $0xffff, v4;
	v11 =	vadd.f32 v11, v5;
	v7 =	vadd.f32 v9, v7;
	v9 =	vld [tilespmem:s10+$0x69A0]  }
0xa2: {  	v4 =	vld.idx.msk [tilespmem:v0+s10+$0x32F0 ss:$0x1], $0xffff;
	[tilespmem:v0+s10+$0x3220 ss:$0x1] =	vst.idx.msk $0xffff, v6  }
0xa3: {  	v2 =	vadd.f32 v62, v2;
	[tilespmem:v0+s10+$0x32A0 ss:$0x1] =	vst.idx.msk $0xffff, v11;
	v5 =	vld.idx.msk [tilespmem:v0+s10+$0x3230 ss:$0x1], $0xffff  }
0xa4: {  	[tilespmem:v0+s10+$0x3260 ss:$0x1] =	vst.idx.msk $0xffff, v7;
	v7 =	vld.idx.msk [tilespmem:v0+s10+$0x32B0 ss:$0x1], $0xffff  }
0xa5: {  	[tilespmem:v0+s10+$0x3320 ss:$0x1] =	vst.idx.msk $0xffff, v2;
	v6 =	vld.idx.msk [tilespmem:v0+s10+$0x3270 ss:$0x1], $0xffff;
	v8 =	vadd.f32 v8, v3  }
0xa6: {  	s16 =	smul.u32 $0x6400, s1;
	v3 =	vld.idx.msk [tilespmem:v0+s10+$0x3330 ss:$0x1], $0xffff;
	v1 =	vadd.f32 v9, v1  }
0xa7: {  	s13 =	smul.u32 $0x19000, s0;
	v9 =	vadd.f32 v63, v10;
	[tilespmem:v0+s10+$0x3360 ss:$0x1] =	vst.idx.msk $0xffff, v8;
	v8 =	vld [tilespmem:s10+$0x6830]  }
0xa8: {  	s12 =	sadd.s32 s7, s16;
	v2 =	vld.idx.msk [tilespmem:v0+s10+$0x3370 ss:$0x1], $0xffff;
	[tilespmem:v0+s10+$0x33A0 ss:$0x1] =	vst.idx.msk $0xffff, v1  }
0xa9: {  	s14 =	simm.s32 $0x0;
	s12 =	sshrl.u32 s12, $0x3;
	s13 =	sshrl.u32 s13, $0x2;
	[tilespmem:v0+s10+$0x33F0 ss:$0x1] =	vst.idx.msk $0xffff, v9;
	v9 =	vld [tilespmem:s10+$0x6870]  }
0xaa: {  	s12 =	sadd.s32 s2, s12;
	s13 =	sadd.s32 $0x9A00, s13;
	s15 =	simm.s32 $0x800;
	v1 =	vld.idx.msk [tilespmem:v0+s10+$0x33B0 ss:$0x1], $0xffff  }
.LBB2_3:
0xab: {  	s16 =	sshra.s32 s15, $0x2;
	s14 =	sadd.s32 $0x8, s14;
	v10 =	vld [tilespmem:s10+$0x68B0]  }
0xac: {  	v11 =	vld.idx.msk [tilespmem:v0+s16+$0x1C0 ss:$0x1], $0xffff;
	p0 =	slt.u32 s14, $0xC0  }
0xad: {  	v12 =	vld [tilespmem:s16+$0x69C0]  }
0xae: {  	v13 =	vld.idx.msk [tilespmem:v0+s16+$0x0 ss:$0x1], $0xffff;
	v5 =	vadd.f32 v8, v5  }
0xaf: {  	v8 =	vld.idx.msk [tilespmem:v0+s16+$0x40 ss:$0x1], $0xffff;
	v6 =	vadd.f32 v9, v6  }
0xb0: {  	v9 =	vld.idx.msk [tilespmem:v0+s16+$0x80 ss:$0x1], $0xffff;
	[tilespmem:v0+s10+$0x3230 ss:$0x1] =	vst.idx.msk $0xffff, v5;
	v5 =	vadd.f32 v10, v7  }
0xb1: {  	v7 =	vld.idx.msk [tilespmem:v0+s16+$0xC0 ss:$0x1], $0xffff;
	[tilespmem:v0+s10+$0x3270 ss:$0x1] =	vst.idx.msk $0xffff, v6  }
0xb2: {  	v6 =	vld.idx.msk [tilespmem:v0+s16+$0x100 ss:$0x1], $0xffff;
	v10 =	vadd.f32 v12, v11;
	[tilespmem:v0+s10+$0x32B0 ss:$0x1] =	vst.idx.msk $0xffff, v5  }
0xb3: {  	v5 =	vld.idx.msk [tilespmem:v0+s16+$0x140 ss:$0x1], $0xffff  }
0xb4: {  	v11 =	vld.idx.msk [tilespmem:v0+s16+$0x180 ss:$0x1], $0xffff;
	[tilespmem:v0+s16+$0x1C0 ss:$0x1] =	vst.idx.msk $0xffff, v10  }
0xb5: {  	v10 =	vld.idx.msk [tilespmem:v0+s16+$0x1D0 ss:$0x1], $0xffff  }
0xb6: {  	v12 =	vld [tilespmem:s16+$0x69D0]  }
0xb7: {  	v14 =	vld [tilespmem:s16+$0x6800]  }
0xb8: {  	v15 =	vld [tilespmem:s16+$0x6840]  }
0xb9: {  	v16 =	vld [tilespmem:s16+$0x6880]  }
0xba: {  	v17 =	vld [tilespmem:s16+$0x68C0]  }
0xbb: {  	v18 =	vld [tilespmem:s16+$0x6900];
	v10 =	vadd.f32 v12, v10  }
0xbc: {  	v12 =	vadd.f32 v14, v13;
	v13 =	vld [tilespmem:s16+$0x6940]  }
0xbd: {  	v8 =	vadd.f32 v15, v8;
	v14 =	vld [tilespmem:s16+$0x6980];
	[tilespmem:v0+s16+$0x1D0 ss:$0x1] =	vst.idx.msk $0xffff, v10  }
0xbe: {  	[tilespmem:v0+s16+$0x0 ss:$0x1] =	vst.idx.msk $0xffff, v12;
	v9 =	vadd.f32 v16, v9;
	v10 =	vld.idx.msk [tilespmem:v0+s16+$0x1E0 ss:$0x1], $0xffff  }
0xbf: {  	[tilespmem:v0+s16+$0x40 ss:$0x1] =	vst.idx.msk $0xffff, v8;
	v7 =	vadd.f32 v17, v7;
	v8 =	vld [tilespmem:s16+$0x69E0]  }
0xc0: {  	v12 =	vld.idx.msk [tilespmem:v0+s16+$0x10 ss:$0x1], $0xffff;
	[tilespmem:v0+s16+$0x80 ss:$0x1] =	vst.idx.msk $0xffff, v9;
	v6 =	vadd.f32 v18, v6  }
0xc1: {  	v9 =	vld.idx.msk [tilespmem:v0+s16+$0x50 ss:$0x1], $0xffff;
	[tilespmem:v0+s16+$0xC0 ss:$0x1] =	vst.idx.msk $0xffff, v7;
	v5 =	vadd.f32 v13, v5  }
0xc2: {  	v7 =	vld.idx.msk [tilespmem:v0+s16+$0x90 ss:$0x1], $0xffff;
	[tilespmem:v0+s16+$0x100 ss:$0x1] =	vst.idx.msk $0xffff, v6;
	v6 =	vadd.f32 v14, v11  }
0xc3: {  	v11 =	vld.idx.msk [tilespmem:v0+s16+$0xD0 ss:$0x1], $0xffff;
	[tilespmem:v0+s16+$0x140 ss:$0x1] =	vst.idx.msk $0xffff, v5  }
0xc4: {  	v5 =	vld.idx.msk [tilespmem:v0+s16+$0x110 ss:$0x1], $0xffff;
	[tilespmem:v0+s16+$0x180 ss:$0x1] =	vst.idx.msk $0xffff, v6;
	v6 =	vadd.f32 v8, v10  }
0xc5: {  	v8 =	vld.idx.msk [tilespmem:v0+s16+$0x150 ss:$0x1], $0xffff  }
0xc6: {  	v10 =	vld.idx.msk [tilespmem:v0+s16+$0x190 ss:$0x1], $0xffff;
	[tilespmem:v0+s16+$0x1E0 ss:$0x1] =	vst.idx.msk $0xffff, v6  }
0xc7: {  	v6 =	vld.idx.msk [tilespmem:v0+s16+$0x1F0 ss:$0x1], $0xffff  }
0xc8: {  	v13 =	vld [tilespmem:s16+$0x69F0]  }
0xc9: {  	v14 =	vld [tilespmem:s16+$0x6810]  }
0xca: {  	v15 =	vld [tilespmem:s16+$0x6850]  }
0xcb: {  	v16 =	vld [tilespmem:s16+$0x6890]  }
0xcc: {  	v17 =	vld [tilespmem:s16+$0x68D0]  }
0xcd: {  	v18 =	vld [tilespmem:s16+$0x6910];
	v6 =	vadd.f32 v13, v6  }
0xce: {  	v12 =	vadd.f32 v14, v12;
	v13 =	vld [tilespmem:s16+$0x6950]  }
0xcf: {  	v9 =	vadd.f32 v15, v9;
	v14 =	vld [tilespmem:s16+$0x6990];
	[tilespmem:v0+s16+$0x1F0 ss:$0x1] =	vst.idx.msk $0xffff, v6  }
0xd0: {  	[tilespmem:v0+s16+$0x10 ss:$0x1] =	vst.idx.msk $0xffff, v12;
	v6 =	vadd.f32 v16, v7;
	v7 =	vld.idx.msk [tilespmem:v0+s16+$0x33C0 ss:$0x1], $0xffff  }
0xd1: {  	[tilespmem:v0+s16+$0x50 ss:$0x1] =	vst.idx.msk $0xffff, v9;
	v9 =	vadd.f32 v17, v11;
	v11 =	vld [tilespmem:s16+$0x69C0]  }
0xd2: {  	v12 =	vld.idx.msk [tilespmem:v0+s16+$0x20 ss:$0x1], $0xffff;
	[tilespmem:v0+s16+$0x90 ss:$0x1] =	vst.idx.msk $0xffff, v6;
	v5 =	vadd.f32 v18, v5  }
0xd3: {  	v6 =	vld.idx.msk [tilespmem:v0+s16+$0x60 ss:$0x1], $0xffff;
	[tilespmem:v0+s16+$0xD0 ss:$0x1] =	vst.idx.msk $0xffff, v9;
	v8 =	vadd.f32 v13, v8  }
0xd4: {  	v9 =	vld.idx.msk [tilespmem:v0+s16+$0xA0 ss:$0x1], $0xffff;
	[tilespmem:v0+s16+$0x110 ss:$0x1] =	vst.idx.msk $0xffff, v5;
	v5 =	vadd.f32 v14, v10  }
0xd5: {  	v10 =	vld.idx.msk [tilespmem:v0+s16+$0xE0 ss:$0x1], $0xffff;
	[tilespmem:v0+s16+$0x150 ss:$0x1] =	vst.idx.msk $0xffff, v8  }
0xd6: {  	v8 =	vld.idx.msk [tilespmem:v0+s16+$0x120 ss:$0x1], $0xffff;
	[tilespmem:v0+s16+$0x190 ss:$0x1] =	vst.idx.msk $0xffff, v5;
	v5 =	vadd.f32 v11, v7  }
0xd7: {  	v7 =	vld.idx.msk [tilespmem:v0+s16+$0x160 ss:$0x1], $0xffff  }
0xd8: {  	v11 =	vld.idx.msk [tilespmem:v0+s16+$0x1A0 ss:$0x1], $0xffff;
	[tilespmem:v0+s16+$0x33C0 ss:$0x1] =	vst.idx.msk $0xffff, v5  }
0xd9: {  	v5 =	vld.idx.msk [tilespmem:v0+s16+$0x33D0 ss:$0x1], $0xffff  }
0xda: {  	v13 =	vld [tilespmem:s16+$0x69D0]  }
0xdb: {  	v14 =	vld [tilespmem:s16+$0x6820]  }
0xdc: {  	v15 =	vld [tilespmem:s16+$0x6860]  }
0xdd: {  	v16 =	vld [tilespmem:s16+$0x68A0]  }
0xde: {  	v17 =	vld [tilespmem:s16+$0x68E0]  }
0xdf: {  	v18 =	vld [tilespmem:s16+$0x6920];
	v5 =	vadd.f32 v13, v5  }
0xe0: {  	v12 =	vadd.f32 v14, v12;
	v13 =	vld [tilespmem:s16+$0x6960]  }
0xe1: {  	v6 =	vadd.f32 v15, v6;
	v14 =	vld [tilespmem:s16+$0x69A0];
	[tilespmem:v0+s16+$0x33D0 ss:$0x1] =	vst.idx.msk $0xffff, v5  }
0xe2: {  	[tilespmem:v0+s16+$0x20 ss:$0x1] =	vst.idx.msk $0xffff, v12;
	v5 =	vadd.f32 v16, v9;
	v9 =	vld.idx.msk [tilespmem:v0+s16+$0x33E0 ss:$0x1], $0xffff  }
0xe3: {  	[tilespmem:v0+s16+$0x60 ss:$0x1] =	vst.idx.msk $0xffff, v6;
	v6 =	vadd.f32 v17, v10;
	v10 =	vld [tilespmem:s16+$0x69E0]  }
0xe4: {  	v12 =	vld.idx.msk [tilespmem:v0+s16+$0x30 ss:$0x1], $0xffff;
	[tilespmem:v0+s16+$0xA0 ss:$0x1] =	vst.idx.msk $0xffff, v5;
	v5 =	vadd.f32 v18, v8  }
0xe5: {  	v8 =	vld.idx.msk [tilespmem:v0+s16+$0x70 ss:$0x1], $0xffff;
	[tilespmem:v0+s16+$0xE0 ss:$0x1] =	vst.idx.msk $0xffff, v6;
	v6 =	vadd.f32 v13, v7  }
0xe6: {  	v7 =	vld.idx.msk [tilespmem:v0+s16+$0xB0 ss:$0x1], $0xffff;
	[tilespmem:v0+s16+$0x120 ss:$0x1] =	vst.idx.msk $0xffff, v5;
	v5 =	vadd.f32 v14, v11  }
0xe7: {  	v11 =	vld.idx.msk [tilespmem:v0+s16+$0xF0 ss:$0x1], $0xffff;
	[tilespmem:v0+s16+$0x160 ss:$0x1] =	vst.idx.msk $0xffff, v6  }
0xe8: {  	v6 =	vld.idx.msk [tilespmem:v0+s16+$0x130 ss:$0x1], $0xffff;
	[tilespmem:v0+s16+$0x1A0 ss:$0x1] =	vst.idx.msk $0xffff, v5;
	v5 =	vadd.f32 v10, v9  }
0xe9: {  	v9 =	vld.idx.msk [tilespmem:v0+s16+$0x170 ss:$0x1], $0xffff  }
0xea: {  	v10 =	vld.idx.msk [tilespmem:v0+s16+$0x1B0 ss:$0x1], $0xffff;
	[tilespmem:v0+s16+$0x33E0 ss:$0x1] =	vst.idx.msk $0xffff, v5  }
0xeb: {  	v5 =	vld.idx.msk [tilespmem:v0+s16+$0x33F0 ss:$0x1], $0xffff  }
0xec: {  	v13 =	vld [tilespmem:s16+$0x69F0]  }
0xed: {  	v14 =	vld [tilespmem:s16+$0x6830]  }
0xee: {  	v15 =	vld [tilespmem:s16+$0x6870]  }
0xef: {  	v16 =	vld [tilespmem:s16+$0x68B0]  }
0xf0: {  	v17 =	vld [tilespmem:s16+$0x68F0]  }
0xf1: {  	v18 =	vld [tilespmem:s16+$0x6930];
	v5 =	vadd.f32 v13, v5  }
0xf2: {  	v12 =	vadd.f32 v14, v12;
	v13 =	vld [tilespmem:s16+$0x6970]  }
0xf3: {  	v8 =	vadd.f32 v15, v8;
	v14 =	vld [tilespmem:s16+$0x69B0];
	[tilespmem:v0+s16+$0x33F0 ss:$0x1] =	vst.idx.msk $0xffff, v5  }
0xf4: {  	[tilespmem:v0+s16+$0x30 ss:$0x1] =	vst.idx.msk $0xffff, v12;
	v5 =	vadd.f32 v16, v7;
	v7 =	vld [tilespmem:s10+$0x68F0]  }
0xf5: {  	v12 =	vld.idx.msk [tilespmem:v0+s16+$0x3200 ss:$0x1], $0xffff;
	[tilespmem:v0+s16+$0x70 ss:$0x1] =	vst.idx.msk $0xffff, v8;
	v8 =	vadd.f32 v17, v11  }
0xf6: {  	v11 =	vld.idx.msk [tilespmem:v0+s16+$0x3240 ss:$0x1], $0xffff;
	[tilespmem:v0+s16+$0xB0 ss:$0x1] =	vst.idx.msk $0xffff, v5;
	v5 =	vadd.f32 v18, v6  }
0xf7: {  	v6 =	vld.idx.msk [tilespmem:v0+s16+$0x3280 ss:$0x1], $0xffff;
	[tilespmem:v0+s16+$0xF0 ss:$0x1] =	vst.idx.msk $0xffff, v8;
	v8 =	vadd.f32 v13, v9  }
0xf8: {  	v9 =	vld.idx.msk [tilespmem:v0+s16+$0x32C0 ss:$0x1], $0xffff;
	[tilespmem:v0+s16+$0x130 ss:$0x1] =	vst.idx.msk $0xffff, v5;
	v5 =	vadd.f32 v14, v10  }
0xf9: {  	v10 =	vld.idx.msk [tilespmem:v0+s16+$0x3300 ss:$0x1], $0xffff;
	[tilespmem:v0+s16+$0x170 ss:$0x1] =	vst.idx.msk $0xffff, v8;
	v4 =	vadd.f32 v7, v4  }
0xfa: {  	v7 =	vld.idx.msk [tilespmem:v0+s16+$0x3340 ss:$0x1], $0xffff;
	[tilespmem:v0+s16+$0x1B0 ss:$0x1] =	vst.idx.msk $0xffff, v5  }
0xfb: {  	v5 =	vld.idx.msk [tilespmem:v0+s16+$0x3380 ss:$0x1], $0xffff;
	[tilespmem:v0+s10+$0x32F0 ss:$0x1] =	vst.idx.msk $0xffff, v4  }
0xfc: {  	v4 =	vld [tilespmem:s16+$0x6800]  }
0xfd: {  	v8 =	vld [tilespmem:s16+$0x6840]  }
0xfe: {  	v13 =	vld [tilespmem:s16+$0x6880]  }
0xff: {  	v14 =	vld [tilespmem:s16+$0x68C0]  }
0x100: {  	v15 =	vld [tilespmem:s16+$0x6900]  }
0x101: {  	v4 =	vadd.f32 v4, v12;
	v12 =	vld [tilespmem:s16+$0x6940]  }
0x102: {  	v8 =	vadd.f32 v8, v11;
	v11 =	vld [tilespmem:s16+$0x6980]  }
0x103: {  	[tilespmem:v0+s16+$0x3200 ss:$0x1] =	vst.idx.msk $0xffff, v4;
	v4 =	vadd.f32 v13, v6;
	v6 =	vld [tilespmem:s10+$0x6930]  }
0x104: {  	v13 =	vld.idx.msk [tilespmem:v0+s16+$0x3210 ss:$0x1], $0xffff;
	[tilespmem:v0+s16+$0x3240 ss:$0x1] =	vst.idx.msk $0xffff, v8;
	v8 =	vadd.f32 v14, v9  }
0x105: {  	v9 =	vld.idx.msk [tilespmem:v0+s16+$0x3250 ss:$0x1], $0xffff;
	[tilespmem:v0+s16+$0x3280 ss:$0x1] =	vst.idx.msk $0xffff, v4;
	v4 =	vadd.f32 v15, v10  }
0x106: {  	v10 =	vld.idx.msk [tilespmem:v0+s16+$0x3290 ss:$0x1], $0xffff;
	[tilespmem:v0+s16+$0x32C0 ss:$0x1] =	vst.idx.msk $0xffff, v8;
	v7 =	vadd.f32 v12, v7  }
0x107: {  	v8 =	vld.idx.msk [tilespmem:v0+s16+$0x32D0 ss:$0x1], $0xffff;
	[tilespmem:v0+s16+$0x3300 ss:$0x1] =	vst.idx.msk $0xffff, v4;
	v4 =	vadd.f32 v11, v5  }
0x108: {  	v5 =	vld.idx.msk [tilespmem:v0+s16+$0x3310 ss:$0x1], $0xffff;
	[tilespmem:v0+s16+$0x3340 ss:$0x1] =	vst.idx.msk $0xffff, v7;
	v3 =	vadd.f32 v6, v3  }
0x109: {  	v6 =	vld.idx.msk [tilespmem:v0+s16+$0x3350 ss:$0x1], $0xffff;
	[tilespmem:v0+s16+$0x3380 ss:$0x1] =	vst.idx.msk $0xffff, v4  }
0x10a: {  	v4 =	vld.idx.msk [tilespmem:v0+s16+$0x3390 ss:$0x1], $0xffff;
	[tilespmem:v0+s10+$0x3330 ss:$0x1] =	vst.idx.msk $0xffff, v3  }
0x10b: {  	v3 =	vld [tilespmem:s16+$0x6810]  }
0x10c: {  	v7 =	vld [tilespmem:s16+$0x6850]  }
0x10d: {  	v11 =	vld [tilespmem:s16+$0x6890]  }
0x10e: {  	v12 =	vld [tilespmem:s16+$0x68D0]  }
0x10f: {  	v14 =	vld [tilespmem:s16+$0x6910]  }
0x110: {  	v3 =	vadd.f32 v3, v13;
	v13 =	vld [tilespmem:s16+$0x6950]  }
0x111: {  	v7 =	vadd.f32 v7, v9;
	v9 =	vld [tilespmem:s16+$0x6990]  }
0x112: {  	[tilespmem:v0+s16+$0x3210 ss:$0x1] =	vst.idx.msk $0xffff, v3;
	v3 =	vadd.f32 v11, v10;
	v10 =	vld [tilespmem:s10+$0x6970]  }
0x113: {  	v11 =	vld.idx.msk [tilespmem:v0+s16+$0x3220 ss:$0x1], $0xffff;
	[tilespmem:v0+s16+$0x3250 ss:$0x1] =	vst.idx.msk $0xffff, v7;
	v7 =	vadd.f32 v12, v8  }
0x114: {  	v8 =	vld.idx.msk [tilespmem:v0+s16+$0x3260 ss:$0x1], $0xffff;
	[tilespmem:v0+s16+$0x3290 ss:$0x1] =	vst.idx.msk $0xffff, v3;
	v3 =	vadd.f32 v14, v5  }
0x115: {  	v5 =	vld.idx.msk [tilespmem:v0+s16+$0x32A0 ss:$0x1], $0xffff;
	[tilespmem:v0+s16+$0x32D0 ss:$0x1] =	vst.idx.msk $0xffff, v7;
	v6 =	vadd.f32 v13, v6  }
0x116: {  	v7 =	vld.idx.msk [tilespmem:v0+s16+$0x32E0 ss:$0x1], $0xffff;
	[tilespmem:v0+s16+$0x3310 ss:$0x1] =	vst.idx.msk $0xffff, v3;
	v3 =	vadd.f32 v9, v4  }
0x117: {  	v4 =	vld.idx.msk [tilespmem:v0+s16+$0x3320 ss:$0x1], $0xffff;
	[tilespmem:v0+s16+$0x3350 ss:$0x1] =	vst.idx.msk $0xffff, v6;
	v2 =	vadd.f32 v10, v2  }
0x118: {  	v9 =	vld.idx.msk [tilespmem:v0+s16+$0x3360 ss:$0x1], $0xffff;
	[tilespmem:v0+s16+$0x3390 ss:$0x1] =	vst.idx.msk $0xffff, v3  }
0x119: {  	v3 =	vld.idx.msk [tilespmem:v0+s16+$0x33A0 ss:$0x1], $0xffff;
	[tilespmem:v0+s10+$0x3370 ss:$0x1] =	vst.idx.msk $0xffff, v2  }
0x11a: {  	v2 =	vld [tilespmem:s16+$0x6820]  }
0x11b: {  	v6 =	vld [tilespmem:s16+$0x6860]  }
0x11c: {  	v10 =	vld [tilespmem:s16+$0x68A0]  }
0x11d: {  	v12 =	vld [tilespmem:s16+$0x68E0]  }
0x11e: {  	v13 =	vld [tilespmem:s16+$0x6920]  }
0x11f: {  	v2 =	vadd.f32 v2, v11;
	v11 =	vld [tilespmem:s16+$0x6960]  }
0x120: {  	v6 =	vadd.f32 v6, v8;
	v8 =	vld [tilespmem:s16+$0x69A0]  }
0x121: {  	[tilespmem:v0+s16+$0x3220 ss:$0x1] =	vst.idx.msk $0xffff, v2;
	v2 =	vadd.f32 v10, v5;
	v10 =	vld [tilespmem:s10+$0x69B0]  }
0x122: {  	v5 =	vld.idx.msk [tilespmem:v0+s16+$0x3230 ss:$0x1], $0xffff;
	[tilespmem:v0+s16+$0x3260 ss:$0x1] =	vst.idx.msk $0xffff, v6;
	v12 =	vadd.f32 v12, v7  }
0x123: {  	v6 =	vld.idx.msk [tilespmem:v0+s16+$0x3270 ss:$0x1], $0xffff;
	[tilespmem:v0+s16+$0x32A0 ss:$0x1] =	vst.idx.msk $0xffff, v2;
	v2 =	vadd.f32 v13, v4  }
0x124: {  	v7 =	vld.idx.msk [tilespmem:v0+s16+$0x32B0 ss:$0x1], $0xffff;
	[tilespmem:v0+s16+$0x32E0 ss:$0x1] =	vst.idx.msk $0xffff, v12;
	v9 =	vadd.f32 v11, v9  }
0x125: {  	v4 =	vld.idx.msk [tilespmem:v0+s16+$0x32F0 ss:$0x1], $0xffff;
	[tilespmem:v0+s16+$0x3320 ss:$0x1] =	vst.idx.msk $0xffff, v2;
	v8 =	vadd.f32 v8, v3  }
.Ltmp0:
0x126: {  	v3 =	vld.idx.msk [tilespmem:v0+s16+$0x3330 ss:$0x1], $0xffff;
	[tilespmem:v0+s16+$0x3360 ss:$0x1] =	vst.idx.msk $0xffff, v9;
	v9 =	vadd.f32 v10, v1;
	(pc) =	sbr.rel @p0 .LBB2_3-.Ltmp0, $4  }
0x127: {  	v2 =	vld.idx.msk [tilespmem:v0+s16+$0x3370 ss:$0x1], $0xffff;
	[tilespmem:v0+s16+$0x33A0 ss:$0x1] =	vst.idx.msk $0xffff, v8  }
0x128: {  	v1 =	vld.idx.msk [tilespmem:v0+s16+$0x33B0 ss:$0x1], $0xffff;
	[tilespmem:v0+s10+$0x33B0 ss:$0x1] =	vst.idx.msk $0xffff, v9;
	s10 =	smov.u32 s16  }
0x129: {  	v8 =	vld [tilespmem:s10+$0x6830]  }
0x12a: {  	s15 =	sadd.s32 $0x800, s15;
	v9 =	vld [tilespmem:s10+$0x6870]  }
0x12b: {  	v10 =	vld [tilespmem:s10+$0x68B0]  }
0x12c: {  	v11 =	vld [tilespmem:s10+$0x68F0]  }
0x12d: {  	v12 =	vld [tilespmem:s10+$0x6930]  }
0x12e: {  	v61 =	vld [tilespmem:s10+$0x6970];
	v5 =	vadd.f32 v8, v5  }
0x12f: {  	v62 =	vld [tilespmem:s10+$0x69B0];
	v6 =	vadd.f32 v9, v6  }
0x130: {  	[tilespmem:v0+s10+$0x3230 ss:$0x1] =	vst.idx.msk $0xffff, v5;
	v63 =	vadd.f32 v10, v7  }
0x131: {  	s14 =	sadd.s32 $0x2, s1;
	p0 =	sgt.u32 s1, $0x3D;
	v4 =	vadd.f32 v11, v4;
	[tilespmem:v0+s10+$0x3270 ss:$0x1] =	vst.idx.msk $0xffff, v6  }
0x132: {  	s15 =	smul.u32 @!p0 $0xAB, s14;
	v3 =	vadd.f32 v12, v3;
	[tilespmem:v0+s10+$0x32B0 ss:$0x1] =	vst.idx.msk $0xffff, v63  }
0x133: {  	v2 =	vadd.f32 v61, v2;
	[tilespmem:v0+s10+$0x32F0 ss:$0x1] =	vst.idx.msk $0xffff, v4  }
0x134: {  	s15 =	sshrl.u32 @!p0 s15, $0x9;
	v1 =	vadd.f32 v62, v1;
	[tilespmem:v0+s10+$0x3330 ss:$0x1] =	vst.idx.msk $0xffff, v3  }
0x135: {  	s15 =	sand.u32 @!p0 $0x7F, s15;
	[tilespmem:v0+s10+$0x3370 ss:$0x1] =	vst.idx.msk $0xffff, v2  }
0x136: {  	s0 =	sadd.s32 $0x4, s0;
	[tilespmem:v0+s10+$0x33B0 ss:$0x1] =	vst.idx.msk $0xffff, v1;
	s10 =	smul.u32 @!p0 $0x3, s15  }
0x137: {  	[hbm4b:s12+s3] =	stream.linear.scatter [tilespmem:s13], [sflag:s0], $0x6400, $0x38;
	[tilespmem:$0x1C600] =	vst v63  }
0x138: {  	p1 =	seq.s32 @!p0 s1, $0x0;
	s0 =	ssub.s32 @!p0 s14, s10  }
0x139: {  	p1 =	por p1, p0;
	s13 =	smul.u32 @!p0 $0x680, s14;
	s0 =	sand.u32 @!p0 $0xFF, s0  }
0x13a: {  	s10 =	sadd.s32 @!p1 $0x4, s0;
	s12 =	smul.u32 @!p0 $0x19000, s0  }
0x13b: {  	s14 =	simm.s32 @!p0 $0x64;
	_ =	swait.ge @!p1 [sflag:s10], $0x6400  }
0x13c: {  	s13 =	sshra.s32 @!p0 s13, $0x2;
	[sflag:s10] =	ssyncset.done @!p1 $0x0;
	s12 =	sshrl.u32 @!p0 s12, $0x2  }
0x13d: {  	s0 =	sadd.s32 @!p0 $0x1, s0;
	[sflag:s10] =	ssyncadd.s32 @!p1 $0xFFFF9C00;
	s10 =	sadd.s32 @!p0 $0x9A00, s12  }
0x13e: {  	[tilespmem:s10], [sflag:s0] =	stream.indirect.gather @!p0 [hbm4b:s4+s14], $0x40, s13, s14, $0xb8;
	[tilespmem:$0x1C600] =	vst v63  }
0x13f: {  	s15 =	sadd.s32 @!p0 $0x68, s13;
	s10 =	sadd.s32 @!p0 $0xB300, s12  }
0x140: {  	[tilespmem:s10], [sflag:s0] =	stream.indirect.gather @!p0 [hbm4b:s4+s14], $0x40, s15, s14, $0xb8;
	[tilespmem:$0x1C600] =	vst v63  }
0x141: {  	s10 =	sadd.s32 @!p0 $0xCC00, s12;
	s15 =	sadd.s32 @!p0 $0xD0, s13  }
0x142: {  	[tilespmem:s10], [sflag:s0] =	stream.indirect.gather @!p0 [hbm4b:s4+s14], $0x40, s15, s14, $0xb8;
	[tilespmem:$0x1C600] =	vst v63  }
0x143: {  	s1 =	sadd.s32 $0x1, s1;
	s10 =	sadd.s32 @!p0 $0xE500, s12;
	s12 =	sadd.s32 @!p0 $0x138, s13  }
0x144: {  	[tilespmem:s10], [sflag:s0] =	stream.indirect.gather @!p0 [hbm4b:s4+s14], $0x40, s12, s14, $0xb8;
	[tilespmem:$0x1C600] =	vst v63  }
0x145: {  	p0 =	sne.s32 s1, $0x40  }
.Ltmp1:
0x146: {  	_ = 	snop;
	(pc) =	sbr.rel @p0 .LBB2_2-.Ltmp1, $2  }
0x147: {  	_ =	sdelay $0x2  }
0x148: {  	s31 =	sadd.s32 $0x6400, s31  }
0x149: {  	_ =	swait.ge [sflag:s26], $0x6400  }
0x14a: {  	[sflag:s26] =	ssyncset.done $0x0  }
0x14b: {  	s30 =	sadd.s32 $0x1, s30;
	[sflag:s26] =	ssyncadd.s32 $0xFFFF9C00  }
0x14c: {  	p0 =	sne.s32 s30, s8;
	_ =	swait.ge [sflag:s28], $0x6400  }
.Ltmp2:
0x14d: {  	[sflag:s28] =	ssyncset.done $0x0;
	(pc) =	sbr.rel @p0 .LBB2_1-.Ltmp2, $4  }
0x14e: {  	[sflag:s28] =	ssyncadd.s32 $0xFFFF9C00  }
0x14f: {  	_ =	swait.ge [sflag:s29], $0x6400  }
0x150: {  	[sflag:s29] =	ssyncset.done $0x0  }
0x151: {  	[sflag:s29] =	ssyncadd.s32 $0xFFFF9C00  }
0x152: {  	_ =	sfence.sel $0x180000  }
0x153: {  	[bflag:$0x0] =	sbarrier.arrive $0xFFFF  }
0x154: {  	_ =	strace $0x90000047  }
0x155: {  	s0 =	stileid.u32;
	[bflag:$0x2] =	sbarrier.arrive $0xFFFF  }
0x156: {  	p0 =	sne.s32 s0, $0x0;
	s0 =	rddreg [dreg:$0x2]  }
0x157: {  	s0 =	sadd.s32 @!p0 $0x100000, s0  }
0x158: {  	[sflag:s0] =	ssyncadd.tile.s32 @!p0 $0x1;
	_ =	shalt  }
.Lfunc_end2:
_tile_overlayer_lowered:
.L_overlay_start_2:
0x159: {  	(tag) =	ssettag $0x2  }
0x15a: {  	s0 =	rddreg [dreg:$0x0];
	s2 =	stileid.u32  }
0x15b: {  	s1 =	rddreg [dreg:$0x1];
	p0 =	sne.s32 s2, $0x0  }
0x15c: {  	s3 =	rddreg [dreg:$0x2];
	[bflag:$0x3] =	sbarrier.arrive $0xFFFF;
	s2 =	simm.s32 @!p0 $0x1C07  }
0x15d: {  	[timem:s3], [sflag:s2] =	dma.local @!p0 [hbm:s0], s1  }
0x15e: {  	s0 =	simm.s32 @!p0 $0x7  }
0x15f: {  	_ =	swait.ge @!p0 [sflag:s0], s1  }
0x160: {  	s1 =	ssub.s32 @!p0 $0x0, s1;
	[sflag:s0] =	ssyncset.done @!p0 $0x0  }
0x161: {  	[sflag:s0] =	ssyncadd.s32 @!p0 s1  }
0x162: {  	[bflag:$0x3] =	sbarrier.arrive $0xFFFF  }
0x163: {  	_ =	shalt  }

// kernel: sparse-core-data-format-call.cloned.1.call-start
scs
called_computation_lowered:
.L_overlay_start_0:
0x0: {  	s2 =	sld [smem:$0x3FD9]  }
0x1: {  	s3 =	sld [smem:$0x3FFE];
	_ =	sdelay $0x1  }
0x2: {  	s1 =	srdreg.scid  }
0x3: {  	s0 =	sand.u32 $0x1, s1  }
0x4: {  	s18 =	sshll.u32 s0, $0xA;
	s2 =	sadd.s32 s3, s2  }
0x5: {  	s2 =	sadd.s32 s2, s18  }
0x6: {  	[smem:$0x3FC5] =	sst s2  }
0x7: {  	_ = 	snop  }
0x8: {  	s2 =	sld [smem:$0x3FD0];
	(tm) =	ssettm $0x1  }
0x9: {  	s19 =	sld [smem:$0x3FFB];
	_ =	sdelay $0x3  }
0xa: {  	_ =	strace s19  }
0xb: {  	s3 =	sld [smem:$0x3FFC];
	_ =	sdelay $0x3  }
0xc: {  	_ =	strace s3  }
0xd: {  	s3 =	sld [smem:$0x3FFD];
	_ =	sdelay $0x3  }
0xe: {  	_ =	strace s3  }
0xf: {  	_ =	strace $0x8FFFFFFF  }
0x10: {  	s20 =	sld [smem:$0x3FDB];
	_ =	sdelay $0x1  }
0x11: {  	s4 =	simm.s32 $_scs_section_size  }
0x12: {  	s5 =	simm.s32 $_size__tile_overlayer_lowered;
	s6 =	simm.s32 $_tile_overlayer_lowered  }
0x13: {  	s23 =	simm.s32 $0x1BFF;
	s22 =	sshll.u32 s6, $0x1;
	s3 =	sadd.s32 s4, s20  }
0x14: {  	s7 =	simm.s32 $0x0;
	s21 =	sshll.u32 s5, $0x1;
	s5 =	sadd.s32 s22, s3  }
0x15: {  	[timem:s7], [sflag:s23] =	dma.local [hbm:s5], s21  }
0x16: {  	_ =	swait.ge [sflag:s23], s21  }
0x17: {  	s4 =	ssub.s32 $0x0, s21;
	[sflag:s23] =	ssyncset.done $0x0  }
0x18: {  	[sflag:s23] =	ssyncadd.s32 s4;
	_ =	sdelay $0x1  }
0x19: {  	s24 =	simm.s32 $0x1B8B  }
0x1a: {  	_ =	swait.ge [sflag:s24], $0x1  }
0x1b: {  	[sflag:s24] =	ssyncset.done $0x0  }
0x1c: {  	s26 =	simm.s32 $0x1B8E;
	s25 =	sld [smem:$0x3FFE];
	[sflag:s24] =	ssyncadd.s32 $0xFFFFFFFF  }
0x1d: {  	s27 =	simm.s32 $execute0_lowered;
	[smem:$0x3FD2] =	sst s26  }
0x1e: {  	s5 =	sshll.u32 s27, $0x1;
	_ =	strace $0x80000049;
	[dreg:$0x1] =	wrdreg $0xFFFFFFFF  }
0x1f: {  	s28 =	simm.s32 $_size_execute0_lowered;
	s3 =	sadd.s32 s3, s5;
	[dreg:$0x0] =	wrdreg $0x0  }
0x20: {  	s5 =	sshll.u32 s28, $0x1;
	[dreg:$0x2] =	wrdreg s3  }
0x21: {  	[dreg:$0x3] =	wrdreg s5  }
0x22: {  	[dreg:$0x4] =	wrdreg $0xC0  }
0x23: {  	_ =	task [dreg:s7], $0x5FFFF  }
0x24: {  	[dreg:$0x1] =	wrdreg $0xFFFFFFFF  }
0x25: {  	[dreg:$0x0] =	wrdreg $0x60  }
0x26: {  	[dreg:$0x2] =	wrdreg s25  }
0x27: {  	[dreg:$0x3] =	wrdreg s2  }
0x28: {  	[dreg:$0x4] =	wrdreg $0x9  }
0x29: {  	_ =	task.clear_ibuf [dreg:s7], $0x5FFFF;
	_ =	strace $0x90000049  }
0x2a: {  	s29 =	simm.s32 $0x9;
	_ =	strace $0x8000004B  }
0x2b: {  	_ =	swait.ge [sflag:s29], $0x1  }
0x2c: {  	[sflag:s29] =	ssyncadd.s32 $0xFFFFFFFF  }
0x2d: {  	_ =	strace $0x9000004B  }
0x2e: {  	_ =	sfence  }
0x2f: {  	s30 =	sld [smem:$0x0];
	_ =	sdelay $0x2  }
0x30: {  	s31 =	sshll.u32 s1, $0xD;
	s1 =	sshrl.u32 s1, $0x2  }
0x31: {  	s3 =	sand.u32 $0x4000, s31;
	s1 =	sadd.s32 s1, s30  }
0x32: {  	s0 =	sor.u32 s3, s0;
	s1 =	sshll.u32 s1, $0x11  }
0x33: {  	s0 =	sor.u32 s1, s0  }
0x34: {  	s0 =	sadd.s32 $0x8F2B, s0  }
0x35: {  	[sflag:s0] =	ssyncadd.remote.s32 $0x1  }
0x36: {  	_ =	sfence.sel $0xFFFF  }
0x37: {  	[dreg:$0x0] =	wrdreg $0xFFFFFFFF;
	(pc) =	sbr.abs _section_cstart, $3  }
0x38: {  	[dreg:$0x1] =	wrdreg $0xFFFFFFFF  }
0x39: {  	_ =	task.clear_ibuf [dreg:s7], $0x2FFFF;
	_ =	strace $0x9FFFFFFF  }
0x3a: {  	(tm) =	ssettm $0x7FFFFFFF  }
0x3b: {  	_ =	shalt  }
tec
execute0_lowered:
.L_overlay_start_1:
0x0: {  	(tag) =	ssettag $0x1  }
0x1: {  	s0 =	srdreg.scid  }
0x2: {  	s1 =	sshll.u32 s0, $0x4  }
0x3: {  	s0 =	stileid.u32;
	s1 =	sand.u32 $0x10, s1  }
0x4: {  	s1 =	sor.u32 s0, s1  }
0x5: {  	s6 =	rddreg [dreg:$0x0];
	s4 =	simm.s32 $0x1;
	s2 =	sshll.u32 s1, $0x7  }
0x6: {  	s7 =	simm.s32 $0x2;
	s12 =	simm.s32 $0x0;
	s1 =	ssub.s32 $0x1000, s2  }
0x7: {  	s8 =	simm.s32 $0x8000;
	s13 =	simm.s32 $0x0;
	s3 =	sand.u32 $0xF80, s1  }
0x8: {  	s9 =	simm.s32 $0x0;
	s5 =	sshrl.u32 s1, $0xC;
	p0 =	sne.s32 s3, $0x0  }
.Ltmp0:
0x9: {  	s1 =	rddreg [dreg:$0x2];
	s4 =	simm.s32 @!p0 $0x0;
	(pc) =	sbr.rel .LBB1_1-.Ltmp0, $4  }
0xa: {  	s11 =	simm.s32 $0x0;
	s3 =	rddreg [dreg:$0x1];
	s5 =	sadd.s32 s4, s5  }
0xb: {  	_ =	strace $0x8000004A;
	s4 =	simm.s32 $0x1;
	s5 =	smul.u32 $0xC8, s5  }
0xc: {  	s6 =	sadd.s32 $0xE00, s6;
	s10 =	smov.u32 s2;
	[sflag:s4] =	ssyncpa.u1 $0x0  }
0xd: {  	p0 =	por $0x0, $0x0;
	[sflag:s7] =	ssyncpa.u1 $0x0;
	s7 =	sor.u32 $0x1, s5  }
.LBB1_4:
0xe: {  	s16 =	sshll.u32 s13, $0x3;
	s17 =	sand.u32 $0x78, s13  }
0xf: {  	s30 =	sand.u32 $0x7E00, s13;
	s12 =	sshll.u32 s12, $0xF;
	s16 =	sand.u32 $0xC00, s16  }
0x10: {  	[tilespmem:s15+$0x810 ss:$0x81] =	vst.msk $0xffff, v2;
	s31 =	sand.u32 $0x7, s13;
	s16 =	sor.u32 s17, s16;
	s17 =	sadd.s32 s3, s30  }
0x11: {  	[tilespmem:s15+$0x1020 ss:$0x81] =	vst.msk $0xffff, v0;
	s13 =	sshll.u32 s31, $0x12;
	s12 =	sadd.s32 s12, s17;
	s16 =	sshrl.u32 s16, $0x3  }
0x12: {  	[tilespmem:s15+$0x0 ss:$0x81] =	vst.msk $0xffff, v1;
	s13 =	sor.u32 $0x400, s13;
	s12 =	sadd.s32 s16, s12  }
0x13: {  	[hbm4b:s12+s13] =	stream.strided.scatter [tilespmem:s14], [sflag:$0x2], $0x2000, s8, s13, $0x20;
	[tilespmem:$0x8080] =	vst v63  }
.LBB1_5:
0x14: {  	s14 =	sadd.s32 $0x1, s9  }
0x15: {  	s12 =	sadd.s32 $0x1000, s10;
	s16 =	smov.u32 s10;
	p2 =	sgt.s32 s14, $0xC7  }
0x16: {  	s16 =	smov.u32 @p2 s12  }
0x17: {  	s14 =	simm.s32 @p2 $0x0;
	p2 =	sgt.s32 s16, $0xFFF  }
0x18: {  	s16 =	smov.u32 @p2 s2;
	p2 =	sne.s32 s11, s7  }
.Ltmp1:
0x19: {  	p1 =	slt.u32 s11, $0x2;
	(pc) =	sbr.rel @!p2 .LBB1_6-.Ltmp1, $4  }
0x1a: {  	s15 =	simm.s32 @!p1 $0x2  }
0x1b: {  	s13 =	smov.u32 s10;
	p0 =	por !p0, !p0;
	_ =	swait.ge @!p1 [sflag:s15], $0x2000  }
0x1c: {  	s12 =	smov.u32 s9;
	[sflag:s15] =	ssyncset.done @!p1 $0x0;
	s9 =	smov.u32 s14  }
0x1d: {  	s11 =	sadd.s32 $0x1, s11;
	[sflag:s15] =	ssyncadd.s32 @!p1 $0xFFFFE000;
	s10 =	smov.u32 s16  }
.LBB1_1:
0x1e: {  	p1 =	sge.u32 s11, s5  }
0x1f: {  	s14 =	sand.u32 @!p1 $0x1FFFFFF, s9  }
0x20: {  	s15 =	smulhi.u32 @!p1 $0x147AE15, s14;
	_ =	sdelay $0x1  }
0x21: {  	s15 =	smul.u32 @!p1 $0xC8, s15  }
0x22: {  	s16 =	sxor.u32 @!p1 $0xFFFFFFFF, s11;
	s17 =	smul.u32 @!p1 $0xC80, s10  }
0x23: {  	s31 =	sadd.s32 $0xFFFFFFFF, s11;
	s16 =	sshll.u32 @!p1 s16, $0xD;
	s14 =	ssub.s32 @!p1 s14, s15  }
0x24: {  	s15 =	sand.u32 @!p1 $0x2000, s16;
	s16 =	sadd.s32 @!p1 s6, s17;
	s14 =	sshll.u32 @!p1 s14, $0x4  }
0x25: {  	s17 =	simm.s32 @!p1 $0x6400;
	s14 =	sadd.s32 @!p1 s14, s16;
	s16 =	simm.s32 @!p1 $0x40  }
0x26: {  	[tilespmem:s15], [sflag:$0x1] =	stream.strided.gather @!p1 [hbm4b:s14+s16], $0x2000, s17, s16, $0x38;
	[tilespmem:$0x8080] =	vst v63  }
0x27: {  	p1 =	sge.u32 s31, s5  }
.Ltmp2:
0x28: {  	_ = 	snop;
	(pc) =	sbr.rel @p1 .LBB1_5-.Ltmp2, $1  }
0x29: {  	_ =	sdelay $0x3  }
0x2a: {  	s14 =	simm.s32 $0x1  }
0x2b: {  	_ =	swait.ge [sflag:s4], $0x2000;
	s14 =	simm.s32 @!p0 $0x0  }
0x2c: {  	[sflag:s4] =	ssyncset.done $0x0;
	s15 =	sshll.u32 s14, $0xD  }
0x2d: {  	[sflag:s4] =	ssyncadd.s32 $0xFFFFE000;
	s18 =	sor.u32 $0x20, s15  }
0x2e: {  	s14 =	smul.u32 $0x8100, s14;
	v3 =	vld [tilespmem:s18+$0x10]  }
0x2f: {  	s30 =	sand.u32 $0x1, s11;
	v2 =	vld [tilespmem:s18+$0xFFFFFFF0]  }
0x30: {  	s15 =	smul.u32 $0x8100, s30;
	s14 =	sshrl.u32 s14, $0x2;
	v0 =	vld [tilespmem:s18+$0x0]  }
0x31: {  	v1 =	vld [tilespmem:s18+$0xFFFFFFE0];
	s16 =	sor.u32 $0x4000, s14  }
0x32: {  	s31 =	sshrl.u32 s15, $0x2;
	s15 =	sadd.s32 $0x0, s16  }
0x33: {  	s17 =	simm.s32 $0x4;
	s18 =	sadd.s32 $0x40, s18;
	s14 =	sor.u32 $0x4000, s31;
	[tilespmem:s15+$0x1830 ss:$0x81] =	vst.msk $0xffff, v3  }
.LBB1_3:
0x34: {  	v3 =	vld [tilespmem:s18+$0x10];
	p1 =	sne.s32 s17, $0x1FC;
	[tilespmem:s15+$0x810 ss:$0x81] =	vst.msk $0xffff, v2;
	s19 =	smov.u32 s17;
	s17 =	sadd.s32 $0x4, s17  }
.Ltmp3:
0x35: {  	v2 =	vld [tilespmem:s18+$0xFFFFFFF0];
	[tilespmem:s15+$0x1020 ss:$0x81] =	vst.msk $0xffff, v0;
	(pc) =	sbr.rel @p1 .LBB1_3-.Ltmp3, $4  }
0x36: {  	v0 =	vld [tilespmem:s18+$0x0];
	[tilespmem:s15+$0x0 ss:$0x81] =	vst.msk $0xffff, v1  }
0x37: {  	s15 =	sshra.s32 s19, $0x2;
	v1 =	vld [tilespmem:s18+$0xFFFFFFE0]  }
0x38: {  	s15 =	sadd.s32 s15, s16  }
0x39: {  	s18 =	sadd.s32 $0x40, s18;
	[tilespmem:s15+$0x1830 ss:$0x81] =	vst.msk $0xffff, v3  }
.Ltmp4:
0x3a: {  	_ = 	snop;
	(pc) =	sbr.rel .LBB1_4-.Ltmp4, $1  }
0x3b: {  	_ =	sdelay $0x3  }
.LBB1_6:
0x3c: {  	_ =	sfence.sel $0x180000  }
0x3d: {  	s2 =	simm.s32 $0x1;
	[bflag:$0x0] =	sbarrier.arrive $0xFFFF  }
0x3e: {  	s31 =	simm.s32 $0x2;
	[sflag:s2] =	ssyncpa.u1 $0x1  }
0x3f: {  	[sflag:s31] =	ssyncpa.u1 $0x1  }
0x40: {  	p0 =	sne.s32 s0, $0x0;
	_ =	strace $0x9000004A  }
0x41: {  	s0 =	sadd.s32 @!p0 $0x100000, s1;
	[bflag:$0x2] =	sbarrier.arrive $0xFFFF  }
0x42: {  	[sflag:s0] =	ssyncadd.tile.s32 @!p0 $0x1;
	_ =	shalt  }
.Lfunc_end1:
_tile_overlayer_lowered:
.L_overlay_start_2:
0x43: {  	(tag) =	ssettag $0x2  }
0x44: {  	s0 =	rddreg [dreg:$0x0];
	s2 =	stileid.u32  }
0x45: {  	s1 =	rddreg [dreg:$0x1];
	p0 =	sne.s32 s2, $0x0  }
0x46: {  	s3 =	rddreg [dreg:$0x2];
	[bflag:$0x3] =	sbarrier.arrive $0xFFFF;
	s2 =	simm.s32 @!p0 $0x1C01  }
0x47: {  	[timem:s3], [sflag:s2] =	dma.local @!p0 [hbm:s0], s1  }
0x48: {  	s0 =	simm.s32 @!p0 $0x1  }
0x49: {  	_ =	swait.ge @!p0 [sflag:s0], s1  }
0x4a: {  	s1 =	ssub.s32 @!p0 $0x0, s1;
	[sflag:s0] =	ssyncset.done @!p0 $0x0  }
0x4b: {  	[sflag:s0] =	ssyncadd.s32 @!p0 s1  }
0x4c: {  	[bflag:$0x3] =	sbarrier.arrive $0xFFFF  }
0x4d: {  	_ =	shalt  }

</sc_bundles>
